<compile_context>
chip_gen: v7x
topology: tpu7x:2x2x1
jax: 0.10.2.dev20260603
libtpu: 0.0.44.dev20260713+nightly
codegen_flags: <defaults>
</compile_context>

<pallas_src>
import functools

import jax
import jax.numpy as jnp
from jax import lax
from jax.experimental import pallas as pl
from jax.experimental.pallas import tpu as pltpu
from jax.experimental.pallas import tpu_sc as plsc


def _build_kernel(N, D, n_chunks, C, num_cores, nw):
    mesh = plsc.VectorSubcoreMesh(core_axis_name="c", subcore_axis_name="s")

    @functools.partial(
        pl.kernel,
        mesh=mesh,
        out_type=jax.ShapeDtypeStruct((N, D), jnp.float32),
        scratch_types=[
            pltpu.VMEM((n_chunks, C), jnp.int32),
            pltpu.VMEM((3, C, D), jnp.float32),
            pltpu.SemaphoreType.DMA,
            pltpu.SemaphoreType.DMA,
            pltpu.SemaphoreType.DMA,
        ],
    )
    def emb_kernel(
        ids_hbm, tab_hbm, out_hbm, idx_v, rows_v, gsem0, gsem1, gsem2
    ):
        wid = lax.axis_index("s") * num_cores + lax.axis_index("c")
        base = wid * C
        stride = nw * C

        pltpu.sync_copy(ids_hbm.at[wid], idx_v)

        gsems = (gsem0, gsem1, gsem2)

        def gather(ci, b):
            return pltpu.make_async_copy(
                tab_hbm.at[idx_v.at[ci]], rows_v.at[b], gsems[b]
            )

        gather(0, 0).start()
        gather(1, 1).start()

        def body(i):
            for b in range(3):
                ci = i + b
                gather(ci + 2, (b + 2) % 3).start()
                gather(ci, b).wait()
                pltpu.sync_copy(
                    rows_v.at[b], out_hbm.at[pl.ds(base + ci * stride, C)]
                )

        pl.loop(0, n_chunks - 2, step=3)(body)

        for ci in (n_chunks - 2, n_chunks - 1):
            b = ci % 3
            gather(ci, b).wait()
            pltpu.sync_copy(rows_v.at[b], out_hbm.at[pl.ds(base + ci * stride, C)])

    return emb_kernel


def kernel(input_ids, embed_table):
    B, S = input_ids.shape
    V, D = embed_table.shape
    N = B * S

    info = plsc.get_sparse_core_info()
    NW = info.num_cores * info.num_subcores
    assert N % NW == 0
    n_per_w = N // NW
    C = 32
    assert n_per_w % C == 0
    n_chunks = n_per_w // C
    assert (n_chunks - 2) % 3 == 0

    ids = (
        input_ids.reshape(n_chunks, NW, C)
        .transpose(1, 0, 2)
        .astype(jnp.int32)
    )
    emb_kernel = _build_kernel(N, D, n_chunks, C, info.num_cores, NW)
    out = emb_kernel(ids, embed_table)
    return out.reshape(B, S, D)

# --- scband reference (transcript-rebuilt; emitter-appended) ---
"""Pipeline reference for scband-embed-tokens-wrapper-24962349924645 (READ-ONLY COPY).

The authoritative reference and input builder live on the scoring server;
editing this copy changes nothing except your own understanding.
"""

import jax, jax.numpy as jnp
import numpy as np

VOCAB = 100000
EMBED_DIM = 1024
BATCH = 4
SEQ = 8192

def setup_inputs(seed: int = 0) -> dict:
    key = jax.random.key(seed)
    k_ids, k_tab = jax.random.split(key)
    input_ids = jax.random.randint(k_ids, (BATCH, SEQ), 0, VOCAB, dtype=jnp.int64 if jax.config.jax_enable_x64 else jnp.int32)
    embed_table = jax.random.normal(k_tab, (VOCAB, EMBED_DIM), dtype=jnp.float32) * 0.02
    return {"input_ids": input_ids, "embed_table": embed_table}

def reference(input_ids, embed_table):
    # EmbedTokensWrapper.forward: embeds = self.embed_tokens(input_ids)
    # ple is None (no per-layer input embedding attribute), so return embeds only.
    embeds = jnp.take(embed_table, input_ids, axis=0)
    return embeds

if __name__ == "__main__":
    import jax
    _d = setup_inputs()
    print(jax.jit(kernel)(*tuple(_d.values())))

</pallas_src>

<mosaic_0001>
#map = affine_map<(d0, d1) -> (0, 0, 0)>
#map1 = affine_map<(d0, d1) -> (0, 0)>
module attributes {stable_mosaic.version = 14 : i64} {
  func.func @emb_kernel(%arg0: i32, %arg1: i32, %arg2: memref<32x32x32xi32, #tpu.memory_space<hbm>>, %arg3: memref<100000x1024xf32, #tpu.memory_space<hbm>>, %arg4: memref<32768x1024xf32, #tpu.memory_space<hbm>>, %arg5: memref<32x32xi32, #tpu.memory_space<vmem>>, %arg6: memref<3x32x1024xf32, #tpu.memory_space<vmem>>, %arg7: memref<!tpu.dma_semaphore, #tpu.memory_space<semaphore_mem>>, %arg8: memref<!tpu.dma_semaphore, #tpu.memory_space<semaphore_mem>>, %arg9: memref<!tpu.dma_semaphore, #tpu.memory_space<semaphore_mem>>) attributes {dimension_semantics = [#tpu.dimension_semantics<core_parallel>, #tpu.dimension_semantics<subcore_parallel>], iteration_bounds = array<i64: 2, 16>, scalar_prefetch = 0 : i64, scratch_operands = 5 : i64, tpu.core_type = #tpu.core_type<sc_vector_subcore>, window_params = [{transform_indices = #map}, {transform_indices = #map1}, {transform_indices = #map1}]} {
    %mul3A = arith.constant 2 : i32
    %mul3A_0 = arith.muli %arg1, %mul3A : i32
    %add3A = arith.addi %mul3A_0, %arg0 : i32
    %mul3A_1 = arith.constant 32 : i32
    %mul3A_2 = arith.muli %add3A, %mul3A_1 : i32
    "tpu.region"() ({
      %run_scoped3A_58 = tpu.sem_alloc : memref<!tpu.dma_semaphore, #tpu.memory_space<semaphore_mem>>
      %dma_start3A_59 = arith.constant 0 : i32
      %dma_start3A_60 = arith.constant 0 : i32
      %dma_start3A_61 = tpu.memref_slice %arg2[%add3A, %dma_start3A_59, %dma_start3A_60] : memref<32x32x32xi32, #tpu.memory_space<hbm>> -> memref<1x32x32xi32, #tpu.memory_space<hbm>>
      %dma_start3A_62 = tpu.memref_squeeze %dma_start3A_61 : memref<1x32x32xi32, #tpu.memory_space<hbm>> -> memref<32x32xi32, #tpu.memory_space<hbm>>
      %dma_start3A_63 = arith.constant 0 : i32
      %dma_start3A_64 = arith.constant 0 : i32
      %dma_start3A_65 = tpu.memref_slice %arg2[%add3A, %dma_start3A_63, %dma_start3A_64] : memref<32x32x32xi32, #tpu.memory_space<hbm>> -> memref<1x32x32xi32, #tpu.memory_space<hbm>>
      %dma_start3A_66 = tpu.memref_squeeze %dma_start3A_65 : memref<1x32x32xi32, #tpu.memory_space<hbm>> -> memref<32x32xi32, #tpu.memory_space<hbm>>
      tpu.enqueue_dma source(%dma_start3A_66 : memref<32x32xi32, #tpu.memory_space<hbm>>) target(%arg5 : memref<32x32xi32, #tpu.memory_space<vmem>>) target_semaphore(%run_scoped3A_58 : memref<!tpu.dma_semaphore, #tpu.memory_space<semaphore_mem>>)
      %dma_wait3A_67 = arith.constant 0 : i32
      %dma_wait3A_68 = arith.constant 0 : i32
      %dma_wait3A_69 = tpu.memref_slice %arg2[%add3A, %dma_wait3A_67, %dma_wait3A_68] : memref<32x32x32xi32, #tpu.memory_space<hbm>> -> memref<1x32x32xi32, #tpu.memory_space<hbm>>
      %dma_wait3A_70 = tpu.memref_squeeze %dma_wait3A_69 : memref<1x32x32xi32, #tpu.memory_space<hbm>> -> memref<32x32xi32, #tpu.memory_space<hbm>>
      %dma_wait3A_71 = arith.constant 0 : i32
      %dma_wait3A_72 = arith.constant 0 : i32
      %dma_wait3A_73 = tpu.memref_slice %arg2[%add3A, %dma_wait3A_71, %dma_wait3A_72] : memref<32x32x32xi32, #tpu.memory_space<hbm>> -> memref<1x32x32xi32, #tpu.memory_space<hbm>>
      %dma_wait3A_74 = tpu.memref_squeeze %dma_wait3A_73 : memref<1x32x32xi32, #tpu.memory_space<hbm>> -> memref<32x32xi32, #tpu.memory_space<hbm>>
      tpu.wait_dma2 semaphore(%run_scoped3A_58 : memref<!tpu.dma_semaphore, #tpu.memory_space<semaphore_mem>>) src(%dma_wait3A_74 : memref<32x32xi32, #tpu.memory_space<hbm>>) dst(%arg5 : memref<32x32xi32, #tpu.memory_space<vmem>>)
      tpu.yield
    }) : () -> ()
    %dma_start3A = arith.constant 0 : i32
    %dma_start3A_3 = arith.constant 0 : i32
    %dma_start3A_4 = arith.constant 0 : i32
    %dma_start3A_5 = arith.constant 0 : i32
    %dma_start3A_6 = tpu.memref_slice %arg6[%dma_start3A_3, %dma_start3A_4, %dma_start3A_5] : memref<3x32x1024xf32, #tpu.memory_space<vmem>> -> memref<1x32x1024xf32, #tpu.memory_space<vmem>>
    %dma_start3A_7 = tpu.memref_squeeze %dma_start3A_6 : memref<1x32x1024xf32, #tpu.memory_space<vmem>> -> memref<32x1024xf32, #tpu.memory_space<vmem>>
    %dma_start3A_8 = arith.constant 0 : i32
    %dma_start3A_9 = tpu.memref_slice %arg5[%dma_start3A, %dma_start3A_8] : memref<32x32xi32, #tpu.memory_space<vmem>> -> memref<1x32xi32, #tpu.memory_space<vmem>>
    %dma_start3A_10 = tpu.memref_squeeze %dma_start3A_9 : memref<1x32xi32, #tpu.memory_space<vmem>> -> memref<32xi32, #tpu.memory_space<vmem>>
    %dma_start3A_11 = arith.constant 0 : i32
    %dma_start3A_12 = arith.constant 0 : i32
    %dma_start3A_13 = tpu.memref_slice %arg3[%dma_start3A_11, %dma_start3A_12] : memref<100000x1024xf32, #tpu.memory_space<hbm>> -> memref<100000x1024xf32, #tpu.memory_space<hbm>>
    tpu.enqueue_indirect_dma source(%dma_start3A_13 : memref<100000x1024xf32, #tpu.memory_space<hbm>>) target(%dma_start3A_7 : memref<32x1024xf32, #tpu.memory_space<vmem>>) offsets(%dma_start3A_10 : memref<32xi32, #tpu.memory_space<vmem>>) semaphore(%arg7 : memref<!tpu.dma_semaphore, #tpu.memory_space<semaphore_mem>>)
    %dma_start3A_14 = arith.constant 1 : i32
    %dma_start3A_15 = arith.constant 1 : i32
    %dma_start3A_16 = arith.constant 0 : i32
    %dma_start3A_17 = arith.constant 0 : i32
    %dma_start3A_18 = tpu.memref_slice %arg6[%dma_start3A_15, %dma_start3A_16, %dma_start3A_17] : memref<3x32x1024xf32, #tpu.memory_space<vmem>> -> memref<1x32x1024xf32, #tpu.memory_space<vmem>>
    %dma_start3A_19 = tpu.memref_squeeze %dma_start3A_18 : memref<1x32x1024xf32, #tpu.memory_space<vmem>> -> memref<32x1024xf32, #tpu.memory_space<vmem>>
    %dma_start3A_20 = arith.constant 0 : i32
    %dma_start3A_21 = tpu.memref_slice %arg5[%dma_start3A_14, %dma_start3A_20] : memref<32x32xi32, #tpu.memory_space<vmem>> -> memref<1x32xi32, #tpu.memory_space<vmem>>
    %dma_start3A_22 = tpu.memref_squeeze %dma_start3A_21 : memref<1x32xi32, #tpu.memory_space<vmem>> -> memref<32xi32, #tpu.memory_space<vmem>>
    %dma_start3A_23 = arith.constant 0 : i32
    %dma_start3A_24 = arith.constant 0 : i32
    %dma_start3A_25 = tpu.memref_slice %arg3[%dma_start3A_23, %dma_start3A_24] : memref<100000x1024xf32, #tpu.memory_space<hbm>> -> memref<100000x1024xf32, #tpu.memory_space<hbm>>
    tpu.enqueue_indirect_dma source(%dma_start3A_25 : memref<100000x1024xf32, #tpu.memory_space<hbm>>) target(%dma_start3A_19 : memref<32x1024xf32, #tpu.memory_space<vmem>>) offsets(%dma_start3A_22 : memref<32xi32, #tpu.memory_space<vmem>>) semaphore(%arg8 : memref<!tpu.dma_semaphore, #tpu.memory_space<semaphore_mem>>)
    %scan3A = arith.constant 0 : i32
    %scan3A_26 = arith.constant 10 : i32
    %scan3A_27 = arith.addi %scan3A, %scan3A_26 : i32
    %scan3A_28 = arith.constant 1 : i32
    scf.for %scan3A_58 = %scan3A to %scan3A_27 step %scan3A_28  : i32 {
      %mul3A_59 = arith.constant 3 : i32
      %mul3A_60 = arith.muli %scan3A_58, %mul3A_59 : i32
      %add3A_61 = arith.constant 0 : i32
      %add3A_62 = arith.addi %add3A_61, %mul3A_60 : i32
      %add3A_63 = arith.constant 0 : i32
      %add3A_64 = arith.addi %add3A_62, %add3A_63 : i32
      %add3A_65 = arith.constant 2 : i32
      %add3A_66 = arith.addi %add3A_64, %add3A_65 : i32
      %dma_start3A_67 = arith.constant 2 : i32
      %dma_start3A_68 = arith.constant 0 : i32
      %dma_start3A_69 = arith.constant 0 : i32
      %dma_start3A_70 = tpu.memref_slice %arg6[%dma_start3A_67, %dma_start3A_68, %dma_start3A_69] : memref<3x32x1024xf32, #tpu.memory_space<vmem>> -> memref<1x32x1024xf32, #tpu.memory_space<vmem>>
      %dma_start3A_71 = tpu.memref_squeeze %dma_start3A_70 : memref<1x32x1024xf32, #tpu.memory_space<vmem>> -> memref<32x1024xf32, #tpu.memory_space<vmem>>
      %dma_start3A_72 = arith.constant 0 : i32
      %dma_start3A_73 = tpu.memref_slice %arg5[%add3A_66, %dma_start3A_72] : memref<32x32xi32, #tpu.memory_space<vmem>> -> memref<1x32xi32, #tpu.memory_space<vmem>>
      %dma_start3A_74 = tpu.memref_squeeze %dma_start3A_73 : memref<1x32xi32, #tpu.memory_space<vmem>> -> memref<32xi32, #tpu.memory_space<vmem>>
      %dma_start3A_75 = arith.constant 0 : i32
      %dma_start3A_76 = arith.constant 0 : i32
      %dma_start3A_77 = tpu.memref_slice %arg3[%dma_start3A_75, %dma_start3A_76] : memref<100000x1024xf32, #tpu.memory_space<hbm>> -> memref<100000x1024xf32, #tpu.memory_space<hbm>>
      tpu.enqueue_indirect_dma source(%dma_start3A_77 : memref<100000x1024xf32, #tpu.memory_space<hbm>>) target(%dma_start3A_71 : memref<32x1024xf32, #tpu.memory_space<vmem>>) offsets(%dma_start3A_74 : memref<32xi32, #tpu.memory_space<vmem>>) semaphore(%arg9 : memref<!tpu.dma_semaphore, #tpu.memory_space<semaphore_mem>>)
      %dma_wait3A_78 = arith.constant 0 : i32
      %dma_wait3A_79 = arith.constant 0 : i32
      %dma_wait3A_80 = arith.constant 0 : i32
      %dma_wait3A_81 = tpu.memref_slice %arg6[%dma_wait3A_78, %dma_wait3A_79, %dma_wait3A_80] : memref<3x32x1024xf32, #tpu.memory_space<vmem>> -> memref<1x32x1024xf32, #tpu.memory_space<vmem>>
      %dma_wait3A_82 = tpu.memref_squeeze %dma_wait3A_81 : memref<1x32x1024xf32, #tpu.memory_space<vmem>> -> memref<32x1024xf32, #tpu.memory_space<vmem>>
      %dma_wait3A_83 = arith.constant 0 : i32
      %dma_wait3A_84 = tpu.memref_slice %arg5[%add3A_64, %dma_wait3A_83] : memref<32x32xi32, #tpu.memory_space<vmem>> -> memref<1x32xi32, #tpu.memory_space<vmem>>
      %dma_wait3A_85 = tpu.memref_squeeze %dma_wait3A_84 : memref<1x32xi32, #tpu.memory_space<vmem>> -> memref<32xi32, #tpu.memory_space<vmem>>
      %dma_wait3A_86 = arith.constant 0 : i32
      %dma_wait3A_87 = arith.constant 0 : i32
      %dma_wait3A_88 = tpu.memref_slice %arg3[%dma_wait3A_86, %dma_wait3A_87] : memref<100000x1024xf32, #tpu.memory_space<hbm>> -> memref<100000x1024xf32, #tpu.memory_space<hbm>>
      tpu.wait_indirect_dma semaphore(%arg7 : memref<!tpu.dma_semaphore, #tpu.memory_space<semaphore_mem>>) src(%dma_wait3A_88 : memref<100000x1024xf32, #tpu.memory_space<hbm>>) dst(%dma_wait3A_82 : memref<32x1024xf32, #tpu.memory_space<vmem>>)
      %mul3A_89 = arith.constant 1024 : i32
      %mul3A_90 = arith.muli %add3A_64, %mul3A_89 : i32
      %add3A_91 = arith.addi %mul3A_2, %mul3A_90 : i32
      %run_scoped3A_92 = arith.constant 0 : i32
      "tpu.region"() ({
        %run_scoped3A_153 = tpu.sem_alloc : memref<!tpu.dma_semaphore, #tpu.memory_space<semaphore_mem>>
        %dma_start3A_154 = arith.constant 0 : i32
        %dma_start3A_155 = arith.constant 0 : i32
        %dma_start3A_156 = tpu.memref_slice %arg6[%run_scoped3A_92, %dma_start3A_154, %dma_start3A_155] : memref<3x32x1024xf32, #tpu.memory_space<vmem>> -> memref<1x32x1024xf32, #tpu.memory_space<vmem>>
        %dma_start3A_157 = tpu.memref_squeeze %dma_start3A_156 : memref<1x32x1024xf32, #tpu.memory_space<vmem>> -> memref<32x1024xf32, #tpu.memory_space<vmem>>
        %dma_start3A_158 = arith.constant 0 : i32
        %dma_start3A_159 = tpu.memref_slice %arg4[%add3A_91, %dma_start3A_158] : memref<32768x1024xf32, #tpu.memory_space<hbm>> -> memref<32x1024xf32, #tpu.memory_space<hbm>>
        %dma_start3A_160 = arith.constant 0 : i32
        %dma_start3A_161 = tpu.memref_slice %arg4[%add3A_91, %dma_start3A_160] : memref<32768x1024xf32, #tpu.memory_space<hbm>> -> memref<32x1024xf32, #tpu.memory_space<hbm>>
        %dma_start3A_162 = arith.constant 0 : i32
        %dma_start3A_163 = arith.constant 0 : i32
        %dma_start3A_164 = tpu.memref_slice %arg6[%run_scoped3A_92, %dma_start3A_162, %dma_start3A_163] : memref<3x32x1024xf32, #tpu.memory_space<vmem>> -> memref<1x32x1024xf32, #tpu.memory_space<vmem>>
        %dma_start3A_165 = tpu.memref_squeeze %dma_start3A_164 : memref<1x32x1024xf32, #tpu.memory_space<vmem>> -> memref<32x1024xf32, #tpu.memory_space<vmem>>
        tpu.enqueue_dma source(%dma_start3A_165 : memref<32x1024xf32, #tpu.memory_space<vmem>>) target(%dma_start3A_161 : memref<32x1024xf32, #tpu.memory_space<hbm>>) target_semaphore(%run_scoped3A_153 : memref<!tpu.dma_semaphore, #tpu.memory_space<semaphore_mem>>)
        %dma_wait3A_166 = arith.constant 0 : i32
        %dma_wait3A_167 = arith.constant 0 : i32
        %dma_wait3A_168 = tpu.memref_slice %arg6[%run_scoped3A_92, %dma_wait3A_166, %dma_wait3A_167] : memref<3x32x1024xf32, #tpu.memory_space<vmem>> -> memref<1x32x1024xf32, #tpu.memory_space<vmem>>
        %dma_wait3A_169 = tpu.memref_squeeze %dma_wait3A_168 : memref<1x32x1024xf32, #tpu.memory_space<vmem>> -> memref<32x1024xf32, #tpu.memory_space<vmem>>
        %dma_wait3A_170 = arith.constant 0 : i32
        %dma_wait3A_171 = tpu.memref_slice %arg4[%add3A_91, %dma_wait3A_170] : memref<32768x1024xf32, #tpu.memory_space<hbm>> -> memref<32x1024xf32, #tpu.memory_space<hbm>>
        %dma_wait3A_172 = arith.constant 0 : i32
        %dma_wait3A_173 = tpu.memref_slice %arg4[%add3A_91, %dma_wait3A_172] : memref<32768x1024xf32, #tpu.memory_space<hbm>> -> memref<32x1024xf32, #tpu.memory_space<hbm>>
        %dma_wait3A_174 = arith.constant 0 : i32
        %dma_wait3A_175 = arith.constant 0 : i32
        %dma_wait3A_176 = tpu.memref_slice %arg6[%run_scoped3A_92, %dma_wait3A_174, %dma_wait3A_175] : memref<3x32x1024xf32, #tpu.memory_space<vmem>> -> memref<1x32x1024xf32, #tpu.memory_space<vmem>>
        %dma_wait3A_177 = tpu.memref_squeeze %dma_wait3A_176 : memref<1x32x1024xf32, #tpu.memory_space<vmem>> -> memref<32x1024xf32, #tpu.memory_space<vmem>>
        tpu.wait_dma2 semaphore(%run_scoped3A_153 : memref<!tpu.dma_semaphore, #tpu.memory_space<semaphore_mem>>) src(%dma_wait3A_177 : memref<32x1024xf32, #tpu.memory_space<vmem>>) dst(%dma_wait3A_173 : memref<32x1024xf32, #tpu.memory_space<hbm>>)
        tpu.yield
      }) : () -> ()
      %add3A_93 = arith.constant 1 : i32
      %add3A_94 = arith.addi %add3A_62, %add3A_93 : i32
      %add3A_95 = arith.constant 2 : i32
      %add3A_96 = arith.addi %add3A_94, %add3A_95 : i32
      %dma_start3A_97 = arith.constant 0 : i32
      %dma_start3A_98 = arith.constant 0 : i32
      %dma_start3A_99 = arith.constant 0 : i32
      %dma_start3A_100 = tpu.memref_slice %arg6[%dma_start3A_97, %dma_start3A_98, %dma_start3A_99] : memref<3x32x1024xf32, #tpu.memory_space<vmem>> -> memref<1x32x1024xf32, #tpu.memory_space<vmem>>
      %dma_start3A_101 = tpu.memref_squeeze %dma_start3A_100 : memref<1x32x1024xf32, #tpu.memory_space<vmem>> -> memref<32x1024xf32, #tpu.memory_space<vmem>>
      %dma_start3A_102 = arith.constant 0 : i32
      %dma_start3A_103 = tpu.memref_slice %arg5[%add3A_96, %dma_start3A_102] : memref<32x32xi32, #tpu.memory_space<vmem>> -> memref<1x32xi32, #tpu.memory_space<vmem>>
      %dma_start3A_104 = tpu.memref_squeeze %dma_start3A_103 : memref<1x32xi32, #tpu.memory_space<vmem>> -> memref<32xi32, #tpu.memory_space<vmem>>
      %dma_start3A_105 = arith.constant 0 : i32
      %dma_start3A_106 = arith.constant 0 : i32
      %dma_start3A_107 = tpu.memref_slice %arg3[%dma_start3A_105, %dma_start3A_106] : memref<100000x1024xf32, #tpu.memory_space<hbm>> -> memref<100000x1024xf32, #tpu.memory_space<hbm>>
      tpu.enqueue_indirect_dma source(%dma_start3A_107 : memref<100000x1024xf32, #tpu.memory_space<hbm>>) target(%dma_start3A_101 : memref<32x1024xf32, #tpu.memory_space<vmem>>) offsets(%dma_start3A_104 : memref<32xi32, #tpu.memory_space<vmem>>) semaphore(%arg7 : memref<!tpu.dma_semaphore, #tpu.memory_space<semaphore_mem>>)
      %dma_wait3A_108 = arith.constant 1 : i32
      %dma_wait3A_109 = arith.constant 0 : i32
      %dma_wait3A_110 = arith.constant 0 : i32
      %dma_wait3A_111 = tpu.memref_slice %arg6[%dma_wait3A_108, %dma_wait3A_109, %dma_wait3A_110] : memref<3x32x1024xf32, #tpu.memory_space<vmem>> -> memref<1x32x1024xf32, #tpu.memory_space<vmem>>
      %dma_wait3A_112 = tpu.memref_squeeze %dma_wait3A_111 : memref<1x32x1024xf32, #tpu.memory_space<vmem>> -> memref<32x1024xf32, #tpu.memory_space<vmem>>
      %dma_wait3A_113 = arith.constant 0 : i32
      %dma_wait3A_114 = tpu.memref_slice %arg5[%add3A_94, %dma_wait3A_113] : memref<32x32xi32, #tpu.memory_space<vmem>> -> memref<1x32xi32, #tpu.memory_space<vmem>>
      %dma_wait3A_115 = tpu.memref_squeeze %dma_wait3A_114 : memref<1x32xi32, #tpu.memory_space<vmem>> -> memref<32xi32, #tpu.memory_space<vmem>>
      %dma_wait3A_116 = arith.constant 0 : i32
      %dma_wait3A_117 = arith.constant 0 : i32
      %dma_wait3A_118 = tpu.memref_slice %arg3[%dma_wait3A_116, %dma_wait3A_117] : memref<100000x1024xf32, #tpu.memory_space<hbm>> -> memref<100000x1024xf32, #tpu.memory_space<hbm>>
      tpu.wait_indirect_dma semaphore(%arg8 : memref<!tpu.dma_semaphore, #tpu.memory_space<semaphore_mem>>) src(%dma_wait3A_118 : memref<100000x1024xf32, #tpu.memory_space<hbm>>) dst(%dma_wait3A_112 : memref<32x1024xf32, #tpu.memory_space<vmem>>)
      %mul3A_119 = arith.constant 1024 : i32
      %mul3A_120 = arith.muli %add3A_94, %mul3A_119 : i32
      %add3A_121 = arith.addi %mul3A_2, %mul3A_120 : i32
      %run_scoped3A_122 = arith.constant 1 : i32
      "tpu.region"() ({
        %run_scoped3A_153 = tpu.sem_alloc : memref<!tpu.dma_semaphore, #tpu.memory_space<semaphore_mem>>
        %dma_start3A_154 = arith.constant 0 : i32
        %dma_start3A_155 = arith.constant 0 : i32
        %dma_start3A_156 = tpu.memref_slice %arg6[%run_scoped3A_122, %dma_start3A_154, %dma_start3A_155] : memref<3x32x1024xf32, #tpu.memory_space<vmem>> -> memref<1x32x1024xf32, #tpu.memory_space<vmem>>
        %dma_start3A_157 = tpu.memref_squeeze %dma_start3A_156 : memref<1x32x1024xf32, #tpu.memory_space<vmem>> -> memref<32x1024xf32, #tpu.memory_space<vmem>>
        %dma_start3A_158 = arith.constant 0 : i32
        %dma_start3A_159 = tpu.memref_slice %arg4[%add3A_121, %dma_start3A_158] : memref<32768x1024xf32, #tpu.memory_space<hbm>> -> memref<32x1024xf32, #tpu.memory_space<hbm>>
        %dma_start3A_160 = arith.constant 0 : i32
        %dma_start3A_161 = tpu.memref_slice %arg4[%add3A_121, %dma_start3A_160] : memref<32768x1024xf32, #tpu.memory_space<hbm>> -> memref<32x1024xf32, #tpu.memory_space<hbm>>
        %dma_start3A_162 = arith.constant 0 : i32
        %dma_start3A_163 = arith.constant 0 : i32
        %dma_start3A_164 = tpu.memref_slice %arg6[%run_scoped3A_122, %dma_start3A_162, %dma_start3A_163] : memref<3x32x1024xf32, #tpu.memory_space<vmem>> -> memref<1x32x1024xf32, #tpu.memory_space<vmem>>
        %dma_start3A_165 = tpu.memref_squeeze %dma_start3A_164 : memref<1x32x1024xf32, #tpu.memory_space<vmem>> -> memref<32x1024xf32, #tpu.memory_space<vmem>>
        tpu.enqueue_dma source(%dma_start3A_165 : memref<32x1024xf32, #tpu.memory_space<vmem>>) target(%dma_start3A_161 : memref<32x1024xf32, #tpu.memory_space<hbm>>) target_semaphore(%run_scoped3A_153 : memref<!tpu.dma_semaphore, #tpu.memory_space<semaphore_mem>>)
        %dma_wait3A_166 = arith.constant 0 : i32
        %dma_wait3A_167 = arith.constant 0 : i32
        %dma_wait3A_168 = tpu.memref_slice %arg6[%run_scoped3A_122, %dma_wait3A_166, %dma_wait3A_167] : memref<3x32x1024xf32, #tpu.memory_space<vmem>> -> memref<1x32x1024xf32, #tpu.memory_space<vmem>>
        %dma_wait3A_169 = tpu.memref_squeeze %dma_wait3A_168 : memref<1x32x1024xf32, #tpu.memory_space<vmem>> -> memref<32x1024xf32, #tpu.memory_space<vmem>>
        %dma_wait3A_170 = arith.constant 0 : i32
        %dma_wait3A_171 = tpu.memref_slice %arg4[%add3A_121, %dma_wait3A_170] : memref<32768x1024xf32, #tpu.memory_space<hbm>> -> memref<32x1024xf32, #tpu.memory_space<hbm>>
        %dma_wait3A_172 = arith.constant 0 : i32
        %dma_wait3A_173 = tpu.memref_slice %arg4[%add3A_121, %dma_wait3A_172] : memref<32768x1024xf32, #tpu.memory_space<hbm>> -> memref<32x1024xf32, #tpu.memory_space<hbm>>
        %dma_wait3A_174 = arith.constant 0 : i32
        %dma_wait3A_175 = arith.constant 0 : i32
        %dma_wait3A_176 = tpu.memref_slice %arg6[%run_scoped3A_122, %dma_wait3A_174, %dma_wait3A_175] : memref<3x32x1024xf32, #tpu.memory_space<vmem>> -> memref<1x32x1024xf32, #tpu.memory_space<vmem>>
        %dma_wait3A_177 = tpu.memref_squeeze %dma_wait3A_176 : memref<1x32x1024xf32, #tpu.memory_space<vmem>> -> memref<32x1024xf32, #tpu.memory_space<vmem>>
        tpu.wait_dma2 semaphore(%run_scoped3A_153 : memref<!tpu.dma_semaphore, #tpu.memory_space<semaphore_mem>>) src(%dma_wait3A_177 : memref<32x1024xf32, #tpu.memory_space<vmem>>) dst(%dma_wait3A_173 : memref<32x1024xf32, #tpu.memory_space<hbm>>)
        tpu.yield
      }) : () -> ()
      %add3A_123 = arith.constant 2 : i32
      %add3A_124 = arith.addi %add3A_62, %add3A_123 : i32
      %add3A_125 = arith.constant 2 : i32
      %add3A_126 = arith.addi %add3A_124, %add3A_125 : i32
      %dma_start3A_127 = arith.constant 1 : i32
      %dma_start3A_128 = arith.constant 0 : i32
      %dma_start3A_129 = arith.constant 0 : i32
      %dma_start3A_130 = tpu.memref_slice %arg6[%dma_start3A_127, %dma_start3A_128, %dma_start3A_129] : memref<3x32x1024xf32, #tpu.memory_space<vmem>> -> memref<1x32x1024xf32, #tpu.memory_space<vmem>>
      %dma_start3A_131 = tpu.memref_squeeze %dma_start3A_130 : memref<1x32x1024xf32, #tpu.memory_space<vmem>> -> memref<32x1024xf32, #tpu.memory_space<vmem>>
      %dma_start3A_132 = arith.constant 0 : i32
      %dma_start3A_133 = tpu.memref_slice %arg5[%add3A_126, %dma_start3A_132] : memref<32x32xi32, #tpu.memory_space<vmem>> -> memref<1x32xi32, #tpu.memory_space<vmem>>
      %dma_start3A_134 = tpu.memref_squeeze %dma_start3A_133 : memref<1x32xi32, #tpu.memory_space<vmem>> -> memref<32xi32, #tpu.memory_space<vmem>>
      %dma_start3A_135 = arith.constant 0 : i32
      %dma_start3A_136 = arith.constant 0 : i32
      %dma_start3A_137 = tpu.memref_slice %arg3[%dma_start3A_135, %dma_start3A_136] : memref<100000x1024xf32, #tpu.memory_space<hbm>> -> memref<100000x1024xf32, #tpu.memory_space<hbm>>
      tpu.enqueue_indirect_dma source(%dma_start3A_137 : memref<100000x1024xf32, #tpu.memory_space<hbm>>) target(%dma_start3A_131 : memref<32x1024xf32, #tpu.memory_space<vmem>>) offsets(%dma_start3A_134 : memref<32xi32, #tpu.memory_space<vmem>>) semaphore(%arg8 : memref<!tpu.dma_semaphore, #tpu.memory_space<semaphore_mem>>)
      %dma_wait3A_138 = arith.constant 2 : i32
      %dma_wait3A_139 = arith.constant 0 : i32
      %dma_wait3A_140 = arith.constant 0 : i32
      %dma_wait3A_141 = tpu.memref_slice %arg6[%dma_wait3A_138, %dma_wait3A_139, %dma_wait3A_140] : memref<3x32x1024xf32, #tpu.memory_space<vmem>> -> memref<1x32x1024xf32, #tpu.memory_space<vmem>>
      %dma_wait3A_142 = tpu.memref_squeeze %dma_wait3A_141 : memref<1x32x1024xf32, #tpu.memory_space<vmem>> -> memref<32x1024xf32, #tpu.memory_space<vmem>>
      %dma_wait3A_143 = arith.constant 0 : i32
      %dma_wait3A_144 = tpu.memref_slice %arg5[%add3A_124, %dma_wait3A_143] : memref<32x32xi32, #tpu.memory_space<vmem>> -> memref<1x32xi32, #tpu.memory_space<vmem>>
      %dma_wait3A_145 = tpu.memref_squeeze %dma_wait3A_144 : memref<1x32xi32, #tpu.memory_space<vmem>> -> memref<32xi32, #tpu.memory_space<vmem>>
      %dma_wait3A_146 = arith.constant 0 : i32
      %dma_wait3A_147 = arith.constant 0 : i32
      %dma_wait3A_148 = tpu.memref_slice %arg3[%dma_wait3A_146, %dma_wait3A_147] : memref<100000x1024xf32, #tpu.memory_space<hbm>> -> memref<100000x1024xf32, #tpu.memory_space<hbm>>
      tpu.wait_indirect_dma semaphore(%arg9 : memref<!tpu.dma_semaphore, #tpu.memory_space<semaphore_mem>>) src(%dma_wait3A_148 : memref<100000x1024xf32, #tpu.memory_space<hbm>>) dst(%dma_wait3A_142 : memref<32x1024xf32, #tpu.memory_space<vmem>>)
      %mul3A_149 = arith.constant 1024 : i32
      %mul3A_150 = arith.muli %add3A_124, %mul3A_149 : i32
      %add3A_151 = arith.addi %mul3A_2, %mul3A_150 : i32
      %run_scoped3A_152 = arith.constant 2 : i32
      "tpu.region"() ({
        %run_scoped3A_153 = tpu.sem_alloc : memref<!tpu.dma_semaphore, #tpu.memory_space<semaphore_mem>>
        %dma_start3A_154 = arith.constant 0 : i32
        %dma_start3A_155 = arith.constant 0 : i32
        %dma_start3A_156 = tpu.memref_slice %arg6[%run_scoped3A_152, %dma_start3A_154, %dma_start3A_155] : memref<3x32x1024xf32, #tpu.memory_space<vmem>> -> memref<1x32x1024xf32, #tpu.memory_space<vmem>>
        %dma_start3A_157 = tpu.memref_squeeze %dma_start3A_156 : memref<1x32x1024xf32, #tpu.memory_space<vmem>> -> memref<32x1024xf32, #tpu.memory_space<vmem>>
        %dma_start3A_158 = arith.constant 0 : i32
        %dma_start3A_159 = tpu.memref_slice %arg4[%add3A_151, %dma_start3A_158] : memref<32768x1024xf32, #tpu.memory_space<hbm>> -> memref<32x1024xf32, #tpu.memory_space<hbm>>
        %dma_start3A_160 = arith.constant 0 : i32
        %dma_start3A_161 = tpu.memref_slice %arg4[%add3A_151, %dma_start3A_160] : memref<32768x1024xf32, #tpu.memory_space<hbm>> -> memref<32x1024xf32, #tpu.memory_space<hbm>>
        %dma_start3A_162 = arith.constant 0 : i32
        %dma_start3A_163 = arith.constant 0 : i32
        %dma_start3A_164 = tpu.memref_slice %arg6[%run_scoped3A_152, %dma_start3A_162, %dma_start3A_163] : memref<3x32x1024xf32, #tpu.memory_space<vmem>> -> memref<1x32x1024xf32, #tpu.memory_space<vmem>>
        %dma_start3A_165 = tpu.memref_squeeze %dma_start3A_164 : memref<1x32x1024xf32, #tpu.memory_space<vmem>> -> memref<32x1024xf32, #tpu.memory_space<vmem>>
        tpu.enqueue_dma source(%dma_start3A_165 : memref<32x1024xf32, #tpu.memory_space<vmem>>) target(%dma_start3A_161 : memref<32x1024xf32, #tpu.memory_space<hbm>>) target_semaphore(%run_scoped3A_153 : memref<!tpu.dma_semaphore, #tpu.memory_space<semaphore_mem>>)
        %dma_wait3A_166 = arith.constant 0 : i32
        %dma_wait3A_167 = arith.constant 0 : i32
        %dma_wait3A_168 = tpu.memref_slice %arg6[%run_scoped3A_152, %dma_wait3A_166, %dma_wait3A_167] : memref<3x32x1024xf32, #tpu.memory_space<vmem>> -> memref<1x32x1024xf32, #tpu.memory_space<vmem>>
        %dma_wait3A_169 = tpu.memref_squeeze %dma_wait3A_168 : memref<1x32x1024xf32, #tpu.memory_space<vmem>> -> memref<32x1024xf32, #tpu.memory_space<vmem>>
        %dma_wait3A_170 = arith.constant 0 : i32
        %dma_wait3A_171 = tpu.memref_slice %arg4[%add3A_151, %dma_wait3A_170] : memref<32768x1024xf32, #tpu.memory_space<hbm>> -> memref<32x1024xf32, #tpu.memory_space<hbm>>
        %dma_wait3A_172 = arith.constant 0 : i32
        %dma_wait3A_173 = tpu.memref_slice %arg4[%add3A_151, %dma_wait3A_172] : memref<32768x1024xf32, #tpu.memory_space<hbm>> -> memref<32x1024xf32, #tpu.memory_space<hbm>>
        %dma_wait3A_174 = arith.constant 0 : i32
        %dma_wait3A_175 = arith.constant 0 : i32
        %dma_wait3A_176 = tpu.memref_slice %arg6[%run_scoped3A_152, %dma_wait3A_174, %dma_wait3A_175] : memref<3x32x1024xf32, #tpu.memory_space<vmem>> -> memref<1x32x1024xf32, #tpu.memory_space<vmem>>
        %dma_wait3A_177 = tpu.memref_squeeze %dma_wait3A_176 : memref<1x32x1024xf32, #tpu.memory_space<vmem>> -> memref<32x1024xf32, #tpu.memory_space<vmem>>
        tpu.wait_dma2 semaphore(%run_scoped3A_153 : memref<!tpu.dma_semaphore, #tpu.memory_space<semaphore_mem>>) src(%dma_wait3A_177 : memref<32x1024xf32, #tpu.memory_space<vmem>>) dst(%dma_wait3A_173 : memref<32x1024xf32, #tpu.memory_space<hbm>>)
        tpu.yield
      }) : () -> ()
    }
    %scan3A_29 = arith.constant 10 : i32
    %dma_wait3A = arith.constant 30 : i32
    %dma_wait3A_30 = arith.constant 0 : i32
    %dma_wait3A_31 = arith.constant 0 : i32
    %dma_wait3A_32 = arith.constant 0 : i32
    %dma_wait3A_33 = tpu.memref_slice %arg6[%dma_wait3A_30, %dma_wait3A_31, %dma_wait3A_32] : memref<3x32x1024xf32, #tpu.memory_space<vmem>> -> memref<1x32x1024xf32, #tpu.memory_space<vmem>>
    %dma_wait3A_34 = tpu.memref_squeeze %dma_wait3A_33 : memref<1x32x1024xf32, #tpu.memory_space<vmem>> -> memref<32x1024xf32, #tpu.memory_space<vmem>>
    %dma_wait3A_35 = arith.constant 0 : i32
    %dma_wait3A_36 = tpu.memref_slice %arg5[%dma_wait3A, %dma_wait3A_35] : memref<32x32xi32, #tpu.memory_space<vmem>> -> memref<1x32xi32, #tpu.memory_space<vmem>>
    %dma_wait3A_37 = tpu.memref_squeeze %dma_wait3A_36 : memref<1x32xi32, #tpu.memory_space<vmem>> -> memref<32xi32, #tpu.memory_space<vmem>>
    %dma_wait3A_38 = arith.constant 0 : i32
    %dma_wait3A_39 = arith.constant 0 : i32
    %dma_wait3A_40 = tpu.memref_slice %arg3[%dma_wait3A_38, %dma_wait3A_39] : memref<100000x1024xf32, #tpu.memory_space<hbm>> -> memref<100000x1024xf32, #tpu.memory_space<hbm>>
    tpu.wait_indirect_dma semaphore(%arg7 : memref<!tpu.dma_semaphore, #tpu.memory_space<semaphore_mem>>) src(%dma_wait3A_40 : memref<100000x1024xf32, #tpu.memory_space<hbm>>) dst(%dma_wait3A_34 : memref<32x1024xf32, #tpu.memory_space<vmem>>)
    %add3A_41 = arith.constant 30720 : i32
    %add3A_42 = arith.addi %mul3A_2, %add3A_41 : i32
    %run_scoped3A = arith.constant 0 : i32
    "tpu.region"() ({
      %run_scoped3A_58 = tpu.sem_alloc : memref<!tpu.dma_semaphore, #tpu.memory_space<semaphore_mem>>
      %dma_start3A_59 = arith.constant 0 : i32
      %dma_start3A_60 = arith.constant 0 : i32
      %dma_start3A_61 = tpu.memref_slice %arg6[%run_scoped3A, %dma_start3A_59, %dma_start3A_60] : memref<3x32x1024xf32, #tpu.memory_space<vmem>> -> memref<1x32x1024xf32, #tpu.memory_space<vmem>>
      %dma_start3A_62 = tpu.memref_squeeze %dma_start3A_61 : memref<1x32x1024xf32, #tpu.memory_space<vmem>> -> memref<32x1024xf32, #tpu.memory_space<vmem>>
      %dma_start3A_63 = arith.constant 0 : i32
      %dma_start3A_64 = tpu.memref_slice %arg4[%add3A_42, %dma_start3A_63] : memref<32768x1024xf32, #tpu.memory_space<hbm>> -> memref<32x1024xf32, #tpu.memory_space<hbm>>
      %dma_start3A_65 = arith.constant 0 : i32
      %dma_start3A_66 = tpu.memref_slice %arg4[%add3A_42, %dma_start3A_65] : memref<32768x1024xf32, #tpu.memory_space<hbm>> -> memref<32x1024xf32, #tpu.memory_space<hbm>>
      %dma_start3A_67 = arith.constant 0 : i32
      %dma_start3A_68 = arith.constant 0 : i32
      %dma_start3A_69 = tpu.memref_slice %arg6[%run_scoped3A, %dma_start3A_67, %dma_start3A_68] : memref<3x32x1024xf32, #tpu.memory_space<vmem>> -> memref<1x32x1024xf32, #tpu.memory_space<vmem>>
      %dma_start3A_70 = tpu.memref_squeeze %dma_start3A_69 : memref<1x32x1024xf32, #tpu.memory_space<vmem>> -> memref<32x1024xf32, #tpu.memory_space<vmem>>
      tpu.enqueue_dma source(%dma_start3A_70 : memref<32x1024xf32, #tpu.memory_space<vmem>>) target(%dma_start3A_66 : memref<32x1024xf32, #tpu.memory_space<hbm>>) target_semaphore(%run_scoped3A_58 : memref<!tpu.dma_semaphore, #tpu.memory_space<semaphore_mem>>)
      %dma_wait3A_71 = arith.constant 0 : i32
      %dma_wait3A_72 = arith.constant 0 : i32
      %dma_wait3A_73 = tpu.memref_slice %arg6[%run_scoped3A, %dma_wait3A_71, %dma_wait3A_72] : memref<3x32x1024xf32, #tpu.memory_space<vmem>> -> memref<1x32x1024xf32, #tpu.memory_space<vmem>>
      %dma_wait3A_74 = tpu.memref_squeeze %dma_wait3A_73 : memref<1x32x1024xf32, #tpu.memory_space<vmem>> -> memref<32x1024xf32, #tpu.memory_space<vmem>>
      %dma_wait3A_75 = arith.constant 0 : i32
      %dma_wait3A_76 = tpu.memref_slice %arg4[%add3A_42, %dma_wait3A_75] : memref<32768x1024xf32, #tpu.memory_space<hbm>> -> memref<32x1024xf32, #tpu.memory_space<hbm>>
      %dma_wait3A_77 = arith.constant 0 : i32
      %dma_wait3A_78 = tpu.memref_slice %arg4[%add3A_42, %dma_wait3A_77] : memref<32768x1024xf32, #tpu.memory_space<hbm>> -> memref<32x1024xf32, #tpu.memory_space<hbm>>
      %dma_wait3A_79 = arith.constant 0 : i32
      %dma_wait3A_80 = arith.constant 0 : i32
      %dma_wait3A_81 = tpu.memref_slice %arg6[%run_scoped3A, %dma_wait3A_79, %dma_wait3A_80] : memref<3x32x1024xf32, #tpu.memory_space<vmem>> -> memref<1x32x1024xf32, #tpu.memory_space<vmem>>
      %dma_wait3A_82 = tpu.memref_squeeze %dma_wait3A_81 : memref<1x32x1024xf32, #tpu.memory_space<vmem>> -> memref<32x1024xf32, #tpu.memory_space<vmem>>
      tpu.wait_dma2 semaphore(%run_scoped3A_58 : memref<!tpu.dma_semaphore, #tpu.memory_space<semaphore_mem>>) src(%dma_wait3A_82 : memref<32x1024xf32, #tpu.memory_space<vmem>>) dst(%dma_wait3A_78 : memref<32x1024xf32, #tpu.memory_space<hbm>>)
      tpu.yield
    }) : () -> ()
    %dma_wait3A_43 = arith.constant 31 : i32
    %dma_wait3A_44 = arith.constant 1 : i32
    %dma_wait3A_45 = arith.constant 0 : i32
    %dma_wait3A_46 = arith.constant 0 : i32
    %dma_wait3A_47 = tpu.memref_slice %arg6[%dma_wait3A_44, %dma_wait3A_45, %dma_wait3A_46] : memref<3x32x1024xf32, #tpu.memory_space<vmem>> -> memref<1x32x1024xf32, #tpu.memory_space<vmem>>
    %dma_wait3A_48 = tpu.memref_squeeze %dma_wait3A_47 : memref<1x32x1024xf32, #tpu.memory_space<vmem>> -> memref<32x1024xf32, #tpu.memory_space<vmem>>
    %dma_wait3A_49 = arith.constant 0 : i32
    %dma_wait3A_50 = tpu.memref_slice %arg5[%dma_wait3A_43, %dma_wait3A_49] : memref<32x32xi32, #tpu.memory_space<vmem>> -> memref<1x32xi32, #tpu.memory_space<vmem>>
    %dma_wait3A_51 = tpu.memref_squeeze %dma_wait3A_50 : memref<1x32xi32, #tpu.memory_space<vmem>> -> memref<32xi32, #tpu.memory_space<vmem>>
    %dma_wait3A_52 = arith.constant 0 : i32
    %dma_wait3A_53 = arith.constant 0 : i32
    %dma_wait3A_54 = tpu.memref_slice %arg3[%dma_wait3A_52, %dma_wait3A_53] : memref<100000x1024xf32, #tpu.memory_space<hbm>> -> memref<100000x1024xf32, #tpu.memory_space<hbm>>
    tpu.wait_indirect_dma semaphore(%arg8 : memref<!tpu.dma_semaphore, #tpu.memory_space<semaphore_mem>>) src(%dma_wait3A_54 : memref<100000x1024xf32, #tpu.memory_space<hbm>>) dst(%dma_wait3A_48 : memref<32x1024xf32, #tpu.memory_space<vmem>>)
    %add3A_55 = arith.constant 31744 : i32
    %add3A_56 = arith.addi %mul3A_2, %add3A_55 : i32
    %run_scoped3A_57 = arith.constant 1 : i32
    "tpu.region"() ({
      %run_scoped3A_58 = tpu.sem_alloc : memref<!tpu.dma_semaphore, #tpu.memory_space<semaphore_mem>>
      %dma_start3A_59 = arith.constant 0 : i32
      %dma_start3A_60 = arith.constant 0 : i32
      %dma_start3A_61 = tpu.memref_slice %arg6[%run_scoped3A_57, %dma_start3A_59, %dma_start3A_60] : memref<3x32x1024xf32, #tpu.memory_space<vmem>> -> memref<1x32x1024xf32, #tpu.memory_space<vmem>>
      %dma_start3A_62 = tpu.memref_squeeze %dma_start3A_61 : memref<1x32x1024xf32, #tpu.memory_space<vmem>> -> memref<32x1024xf32, #tpu.memory_space<vmem>>
      %dma_start3A_63 = arith.constant 0 : i32
      %dma_start3A_64 = tpu.memref_slice %arg4[%add3A_56, %dma_start3A_63] : memref<32768x1024xf32, #tpu.memory_space<hbm>> -> memref<32x1024xf32, #tpu.memory_space<hbm>>
      %dma_start3A_65 = arith.constant 0 : i32
      %dma_start3A_66 = tpu.memref_slice %arg4[%add3A_56, %dma_start3A_65] : memref<32768x1024xf32, #tpu.memory_space<hbm>> -> memref<32x1024xf32, #tpu.memory_space<hbm>>
      %dma_start3A_67 = arith.constant 0 : i32
      %dma_start3A_68 = arith.constant 0 : i32
      %dma_start3A_69 = tpu.memref_slice %arg6[%run_scoped3A_57, %dma_start3A_67, %dma_start3A_68] : memref<3x32x1024xf32, #tpu.memory_space<vmem>> -> memref<1x32x1024xf32, #tpu.memory_space<vmem>>
      %dma_start3A_70 = tpu.memref_squeeze %dma_start3A_69 : memref<1x32x1024xf32, #tpu.memory_space<vmem>> -> memref<32x1024xf32, #tpu.memory_space<vmem>>
      tpu.enqueue_dma source(%dma_start3A_70 : memref<32x1024xf32, #tpu.memory_space<vmem>>) target(%dma_start3A_66 : memref<32x1024xf32, #tpu.memory_space<hbm>>) target_semaphore(%run_scoped3A_58 : memref<!tpu.dma_semaphore, #tpu.memory_space<semaphore_mem>>)
      %dma_wait3A_71 = arith.constant 0 : i32
      %dma_wait3A_72 = arith.constant 0 : i32
      %dma_wait3A_73 = tpu.memref_slice %arg6[%run_scoped3A_57, %dma_wait3A_71, %dma_wait3A_72] : memref<3x32x1024xf32, #tpu.memory_space<vmem>> -> memref<1x32x1024xf32, #tpu.memory_space<vmem>>
      %dma_wait3A_74 = tpu.memref_squeeze %dma_wait3A_73 : memref<1x32x1024xf32, #tpu.memory_space<vmem>> -> memref<32x1024xf32, #tpu.memory_space<vmem>>
      %dma_wait3A_75 = arith.constant 0 : i32
      %dma_wait3A_76 = tpu.memref_slice %arg4[%add3A_56, %dma_wait3A_75] : memref<32768x1024xf32, #tpu.memory_space<hbm>> -> memref<32x1024xf32, #tpu.memory_space<hbm>>
      %dma_wait3A_77 = arith.constant 0 : i32
      %dma_wait3A_78 = tpu.memref_slice %arg4[%add3A_56, %dma_wait3A_77] : memref<32768x1024xf32, #tpu.memory_space<hbm>> -> memref<32x1024xf32, #tpu.memory_space<hbm>>
      %dma_wait3A_79 = arith.constant 0 : i32
      %dma_wait3A_80 = arith.constant 0 : i32
      %dma_wait3A_81 = tpu.memref_slice %arg6[%run_scoped3A_57, %dma_wait3A_79, %dma_wait3A_80] : memref<3x32x1024xf32, #tpu.memory_space<vmem>> -> memref<1x32x1024xf32, #tpu.memory_space<vmem>>
      %dma_wait3A_82 = tpu.memref_squeeze %dma_wait3A_81 : memref<1x32x1024xf32, #tpu.memory_space<vmem>> -> memref<32x1024xf32, #tpu.memory_space<vmem>>
      tpu.wait_dma2 semaphore(%run_scoped3A_58 : memref<!tpu.dma_semaphore, #tpu.memory_space<semaphore_mem>>) src(%dma_wait3A_82 : memref<32x1024xf32, #tpu.memory_space<vmem>>) dst(%dma_wait3A_78 : memref<32x1024xf32, #tpu.memory_space<hbm>>)
      tpu.yield
    }) : () -> ()
    return
  }
}

</mosaic_0001>

<sc_bundles>
// kernel: kernel.3.cloned.1.call-start
scs
__scs_entry_jumppad:
0x0: {  	(pc) =	sbr.rel $0x88, $3  }
0x1: {  	(tag) =	ssettag $0x0;
	lr =	simm.s32 $0x1  }
0x2: {  	[smem:$0x3F9F] =	sst lr;
	_ =	strace $0xD0000000  }
0x3: {  	_ = 	snop  }
0x4: {  	_ = 	snop  }
0x5: {  	_ = 	snop  }
0x6: {  	_ = 	snop  }
0x7: {  	_ = 	snop  }
__scs_overlays_trampoline_lowered:
0x8: {  	[smem:$0x3FAE] =	sst s0  }
0x9: {  	[smem:$0x3FAF] =	sst s1  }
0xa: {  	[smem:$0x3FB0] =	sst s2  }
0xb: {  	[smem:$0x3FB1] =	sst s3  }
0xc: {  	[smem:$0x3FB2] =	sst s4  }
0xd: {  	[smem:$0x3FB3] =	sst s5  }
0xe: {  	[smem:$0x3FB4] =	sst s6  }
0xf: {  	[smem:$0x3FB5] =	sst s7  }
0x10: {  	[smem:$0x3FB6] =	sst s8  }
0x11: {  	[smem:$0x3FB7] =	sst s9;
	s0 =	simm.s32 @!p0 $0x0  }
0x12: {  	s1 =	sld [smem:$0x3F9D];
	s0 =	simm.s32 @p0 $0x1  }
0x13: {  	[smem:$0x3FB8] =	sst s0;
	s0 =	simm.s32 @!p1 $0x0  }
0x14: {  	s2 =	sld [smem:$0x3F9C];
	s0 =	simm.s32 @p1 $0x1  }
0x15: {  	[smem:$0x3FB9] =	sst s0;
	s0 =	simm.s32 @!p2 $0x0  }
0x16: {  	s3 =	sld [smem:$0x3FDB];
	s0 =	simm.s32 @p2 $0x1  }
0x17: {  	s4 =	simm.s32 $0x1BF5;
	[smem:$0x3FBB] =	sst s0  }
0x18: {  	s0 =	sld [smem:$0x3F9E];
	_ =	swait.ge [sflag:s4], $0x0  }
0x19: {  	s7 =	sld [smem:$0x3F9F]  }
0x1a: {  	s8 =	sadd.s32 $0xFFFFE003, lr  }
0x1b: {  	s9 =	sadd.s32 $0xFFFFFEF7, lr;
	s5 =	simm.s32 $0xFFFFFFFF;
	p2 =	slt.u32 s8, $0xFFFFF086  }
0x1c: {  	p1 =	slt.u32 s9, $0xF7A;
	s5 =	simm.s32 @!p2 $0x0  }
0x1d: {  	s5 =	simm.s32 @p1 $0x1;
	p0 =	seq.s32 s7, s2  }
0x1e: {  	s7 =	smul.u32 @!p0 $0xF7A, s2;
	p2 =	seq.s32 @!p0 s5, $0x0  }
0x1f: {  	s9 =	smul.u32 $0xF7A, s1;
	s8 =	simm.s32 @!p0 $0x1BF5;
	p2 =	por !p2, p0  }
0x20: {  	[sflag:s8] =	ssyncset.s32 @!p0 $0xFFFFF086;
	s6 =	sadd.s32 @!p0 s3, s7;
	s7 =	simm.s32 @!p0 $0x108  }
0x21: {  	s3 =	sadd.s32 s3, s9;
	s6 =	sadd.s32 @!p0 $0x88, s6;
	s7 =	simm.s32 @p2 $0x1082  }
0x22: {  	[simem:s7], [sflag:s8] =	dma.local @!p0 [hbm:s6], $0xF7A  }
0x23: {  	s9 =	sor.u32 $0xD0000000, s2;
	s6 =	simm.s32 $0x108;
	_ =	swait.ge @!p0 [sflag:s8], $0x0  }
0x24: {  	s3 =	sadd.s32 $0x88, s3;
	s6 =	simm.s32 @!p1 $0x1082;
	[sflag:s4] =	ssyncset.s32 $0xFFFFF086  }
0x25: {  	[simem:s6], [sflag:s4] =	dma.local [hbm:s3], $0xF7A  }
0x26: {  	[smem:$0x3F9F] =	sst s1;
	(tag) =	ssettag s2;
	_ =	strace s9  }
0x27: {  	s1 =	sld [smem:$0x3FAF]  }
0x28: {  	s2 =	sld [smem:$0x3FB0]  }
0x29: {  	s4 =	sld [smem:$0x3FB2]  }
0x2a: {  	p0 =	seq.s32 s5, $0x0;
	s5 =	sld [smem:$0x3FB3]  }
0x2b: {  	s6 =	sld [smem:$0x3FB4]  }
0x2c: {  	s7 =	sld [smem:$0x3FB5]  }
0x2d: {  	s3 =	simm.s32 $0x108;
	s8 =	sld [smem:$0x3FB6]  }
0x2e: {  	s3 =	simm.s32 @!p0 $0x1082;
	s9 =	sld [smem:$0x3FB7]  }
0x2f: {  	lr =	sadd.s32 s0, s3;
	s0 =	sld [smem:$0x3FAE]  }
0x30: {  	s3 =	sld [smem:$0x3FB1]  }
0x31: {  	[smem:$0x3FBA] =	sst s10  }
0x32: {  	s10 =	sld [smem:$0x3FB8];
	_ =	sdelay $0x3  }
0x33: {  	p0 =	seq.s32 s10, $0x1;
	s10 =	sld [smem:$0x3FBA];
	_ =	sdelay $0x3  }
0x34: {  	[smem:$0x3FBA] =	sst s10  }
0x35: {  	s10 =	sld [smem:$0x3FB9];
	_ =	sdelay $0x3  }
0x36: {  	p1 =	seq.s32 s10, $0x1;
	s10 =	sld [smem:$0x3FBA];
	_ =	sdelay $0x3  }
0x37: {  	[smem:$0x3FBA] =	sst s10  }
0x38: {  	s10 =	sld [smem:$0x3FBB]  }
0x39: {  	_ = 	snop;
	(pc) =	sbr.ind lr, $3  }
0x3a: {  	_ = 	snop  }
0x3b: {  	_ = 	snop  }
0x3c: {  	p2 =	seq.s32 s10, $0x1;
	s10 =	sld [smem:$0x3FBA]  }
0x3d: {  	_ =	shalt  }
0x3e: {  	_ =	shalt  }
0x3f: {  	_ =	shalt  }
0x40: {  	_ =	shalt  }
0x41: {  	_ =	shalt  }
0x42: {  	_ =	shalt  }
0x43: {  	_ =	shalt  }
0x44: {  	_ =	shalt  }
0x45: {  	_ =	shalt  }
0x46: {  	_ =	shalt  }
0x47: {  	_ =	shalt  }
0x48: {  	_ =	shalt  }
0x49: {  	_ =	shalt  }
0x4a: {  	_ =	shalt  }
0x4b: {  	_ =	shalt  }
0x4c: {  	_ =	shalt  }
0x4d: {  	_ =	shalt  }
0x4e: {  	_ =	shalt  }
0x4f: {  	_ =	shalt  }
0x50: {  	_ =	shalt  }
0x51: {  	_ =	shalt  }
0x52: {  	_ =	shalt  }
0x53: {  	_ =	shalt  }
0x54: {  	_ =	shalt  }
0x55: {  	_ =	shalt  }
0x56: {  	_ =	shalt  }
0x57: {  	_ =	shalt  }
0x58: {  	_ =	shalt  }
0x59: {  	_ =	shalt  }
0x5a: {  	_ =	shalt  }
0x5b: {  	_ =	shalt  }
0x5c: {  	_ =	shalt  }
0x5d: {  	_ =	shalt  }
0x5e: {  	_ =	shalt  }
0x5f: {  	_ =	shalt  }
0x60: {  	_ =	shalt  }
0x61: {  	_ =	shalt  }
0x62: {  	_ =	shalt  }
0x63: {  	_ =	shalt  }
0x64: {  	_ =	shalt  }
0x65: {  	_ =	shalt  }
0x66: {  	_ =	shalt  }
0x67: {  	_ =	shalt  }
0x68: {  	_ =	shalt  }
0x69: {  	_ =	shalt  }
0x6a: {  	_ =	shalt  }
0x6b: {  	_ =	shalt  }
0x6c: {  	_ =	shalt  }
0x6d: {  	_ =	shalt  }
0x6e: {  	_ =	shalt  }
0x6f: {  	_ =	shalt  }
0x70: {  	_ =	shalt  }
0x71: {  	_ =	shalt  }
0x72: {  	_ =	shalt  }
0x73: {  	_ =	shalt  }
0x74: {  	_ =	shalt  }
0x75: {  	_ =	shalt  }
0x76: {  	_ =	shalt  }
0x77: {  	_ =	shalt  }
0x78: {  	_ =	shalt  }
0x79: {  	_ =	shalt  }
0x7a: {  	_ =	shalt  }
0x7b: {  	_ =	shalt  }
0x7c: {  	_ =	shalt  }
0x7d: {  	_ =	shalt  }
0x7e: {  	_ =	shalt  }
0x7f: {  	_ =	shalt  }
0x80: {  	_ =	shalt  }
0x81: {  	_ =	shalt  }
0x82: {  	_ =	shalt  }
0x83: {  	_ =	shalt  }
0x84: {  	_ =	shalt  }
0x85: {  	_ =	shalt  }
0x86: {  	_ =	shalt  }
0x87: {  	_ =	shalt  }
.Lfunc_end0:
.L_simem_size_0:
called_computation_lowered:
.L_overlay_start_0:
0x88: {  	s2 =	sld [smem:$0x3FD9]  }
0x89: {  	s3 =	sld [smem:$0x3FFE];
	_ =	sdelay $0x1  }
0x8a: {  	s1 =	srdreg.scid  }
0x8b: {  	s0 =	sand.u32 $0x1, s1  }
0x8c: {  	s17 =	sshll.u32 s0, $0xA;
	s2 =	sadd.s32 s3, s2  }
0x8d: {  	s2 =	sadd.s32 s2, s17  }
0x8e: {  	[smem:$0x3FC6] =	sst s2  }
0x8f: {  	_ = 	snop  }
0x90: {  	s2 =	sld [smem:$0x3FC8]  }
0x91: {  	s18 =	sld [smem:$0x3FD0];
	(tm) =	ssettm $0x1  }
0x92: {  	s4 =	sld [smem:$0x3FFB];
	_ =	sdelay $0x3  }
0x93: {  	_ =	strace s4  }
0x94: {  	s4 =	sld [smem:$0x3FFC];
	_ =	sdelay $0x3  }
0x95: {  	_ =	strace s4  }
0x96: {  	s4 =	sld [smem:$0x3FFD];
	_ =	sdelay $0x3  }
0x97: {  	_ =	strace s4  }
0x98: {  	_ =	strace $0x8FFFFFFF  }
0x99: {  	s19 =	sld [smem:$0x3FDB];
	_ =	sdelay $0x1  }
0x9a: {  	s5 =	simm.s32 $_scs_section_size  }
0x9b: {  	s6 =	simm.s32 $_size__tile_overlayer_lowered;
	s7 =	simm.s32 $_tile_overlayer_lowered  }
0x9c: {  	s22 =	simm.s32 $0x1BFF;
	s21 =	sshll.u32 s7, $0x1;
	s4 =	sadd.s32 s5, s19  }
0x9d: {  	s8 =	simm.s32 $0x0;
	s20 =	sshll.u32 s6, $0x1;
	s6 =	sadd.s32 s21, s4  }
0x9e: {  	[timem:s8], [sflag:s22] =	dma.local [hbm:s6], s20  }
0x9f: {  	_ =	swait.ge [sflag:s22], s20  }
0xa0: {  	s5 =	ssub.s32 $0x0, s20;
	[sflag:s22] =	ssyncset.done $0x0  }
0xa1: {  	[sflag:s22] =	ssyncadd.s32 s5;
	_ =	sdelay $0x1  }
0xa2: {  	s23 =	simm.s32 $0x1B8B  }
0xa3: {  	_ =	swait.ge [sflag:s23], $0x1  }
0xa4: {  	[sflag:s23] =	ssyncset.done $0x0  }
0xa5: {  	s25 =	simm.s32 $0x1B8E;
	s24 =	sld [smem:$0x3FFE];
	[sflag:s23] =	ssyncadd.s32 $0xFFFFFFFF  }
0xa6: {  	s26 =	simm.s32 $execute0_lowered;
	[smem:$0x3FD2] =	sst s25  }
0xa7: {  	s6 =	sshll.u32 s26, $0x1;
	_ =	strace $0x80000046;
	[dreg:$0x1] =	wrdreg $0xFFFFFFFF  }
0xa8: {  	s28 =	simm.s32 $_size_execute0_lowered;
	s4 =	sadd.s32 s4, s6;
	[dreg:$0x0] =	wrdreg $0x0  }
0xa9: {  	s6 =	sshll.u32 s28, $0x1;
	[dreg:$0x2] =	wrdreg s4  }
0xaa: {  	[dreg:$0x3] =	wrdreg s6  }
0xab: {  	[dreg:$0x4] =	wrdreg $0xC0  }
0xac: {  	_ =	task [dreg:s8], $0x5FFFF  }
0xad: {  	[dreg:$0x1] =	wrdreg $0xFFFFFFFF  }
0xae: {  	[dreg:$0x0] =	wrdreg $0x60  }
0xaf: {  	[dreg:$0x2] =	wrdreg s24  }
0xb0: {  	[dreg:$0x3] =	wrdreg s2  }
0xb1: {  	[dreg:$0x4] =	wrdreg s18  }
0xb2: {  	[dreg:$0x5] =	wrdreg $0x9  }
0xb3: {  	_ =	task.clear_ibuf [dreg:s8], $0x6FFFF;
	_ =	strace $0x90000046  }
0xb4: {  	s29 =	simm.s32 $0x9;
	_ =	strace $0x80000048  }
0xb5: {  	_ =	swait.ge [sflag:s29], $0x1  }
0xb6: {  	[sflag:s29] =	ssyncadd.s32 $0xFFFFFFFF  }
0xb7: {  	_ =	strace $0x90000048  }
0xb8: {  	_ =	sfence  }
0xb9: {  	s30 =	sld [smem:$0x0];
	_ =	sdelay $0x2  }
0xba: {  	s31 =	sshll.u32 s1, $0xD;
	s1 =	sshrl.u32 s1, $0x2  }
0xbb: {  	s3 =	sand.u32 $0x4000, s31;
	s1 =	sadd.s32 s1, s30  }
0xbc: {  	s0 =	sor.u32 s3, s0;
	s1 =	sshll.u32 s1, $0x11  }
0xbd: {  	s0 =	sor.u32 s1, s0  }
0xbe: {  	s0 =	sadd.s32 $0x8F2B, s0  }
0xbf: {  	[sflag:s0] =	ssyncadd.remote.s32 $0x1  }
0xc0: {  	_ =	sfence.sel $0xFFFF  }
0xc1: {  	[dreg:$0x0] =	wrdreg $0xFFFFFFFF;
	(pc) =	sbr.abs _section_cstart, $3  }
0xc2: {  	[dreg:$0x1] =	wrdreg $0xFFFFFFFF  }
0xc3: {  	_ =	task.clear_ibuf [dreg:s8], $0x2FFFF;
	_ =	strace $0x9FFFFFFF  }
0xc4: {  	(tm) =	ssettm $0x7FFFFFFF  }
0xc5: {  	_ =	shalt  }
tec
execute0_lowered:
.L_overlay_start_1:
0x0: {  	(tag) =	ssettag $0x1  }
0x1: {  	s0 =	rddreg [dreg:$0x0]  }
0x2: {  	s2 =	rddreg [dreg:$0x1]  }
0x3: {  	s1 =	srdreg.scid;
	s9 =	stileid.u32  }
0x4: {  	s4 =	rddreg [dreg:$0x2];
	s26 =	simm.s32 $0x11800;
	s10 =	simm.s32 $0x12000  }
0x5: {  	s12 =	simm.s32 $0x12800;
	s13 =	simm.s32 $0x13000;
	s14 =	simm.s32 $0x13800  }
0x6: {  	s15 =	simm.s32 $0x14000;
	s1 =	sand.u32 $0x1, s1;
	s3 =	sshll.u32 s9, $0x1  }
0x7: {  	s16 =	simm.s32 $0x14800;
	s7 =	sor.u32 s1, s3;
	s3 =	simm.s32 $0x0  }
0x8: {  	s17 =	simm.s32 $0x15000;
	s28 =	simm.s32 $0x3000;
	[smem:$0x7FF] =	sst s3  }
0x9: {  	s18 =	simm.s32 $0x15800;
	_ =	strace $0x80000047;
	[dreg:$0x5] =	wrdreg s26  }
0xa: {  	s19 =	simm.s32 $0x16000;
	s20 =	simm.s32 $0x16800;
	[dreg:$0x6] =	wrdreg s10  }
0xb: {  	s21 =	simm.s32 $0x17000;
	s29 =	simm.s32 $0x9000;
	[dreg:$0x7] =	wrdreg s12  }
0xc: {  	s30 =	simm.s32 $0xA000;
	s31 =	simm.s32 $0xA800;
	[dreg:$0x8] =	wrdreg s13  }
0xd: {  	s23 =	sshll.u32 s9, $0xD;
	s6 =	ssub.s32 $0x2, s1;
	[dreg:$0x9] =	wrdreg s14  }
0xe: {  	s1 =	sshll.u32 s1, $0xC;
	s5 =	sshll.u32 s7, $0x9;
	[dreg:$0xa] =	wrdreg s15  }
0xf: {  	s22 =	sshrl.u32 s6, $0x1;
	s24 =	sshll.u32 s7, $0xC;
	[dreg:$0xb] =	wrdreg s16  }
0x10: {  	s7 =	sadd.s32 $0x300, s2;
	s0 =	sadd.s32 s5, s0;
	[dreg:$0xc] =	wrdreg s17  }
0x11: {  	s8 =	ssub.s32 s6, s22;
	s5 =	sadd.s32 $0x100, s2;
	[dreg:$0xd] =	wrdreg s18  }
0x12: {  	s6 =	sadd.s32 $0x200, s2;
	s12 =	simm.s32 $0x1000;
	[dreg:$0xe] =	wrdreg s19  }
0x13: {  	s26 =	simm.s32 $0x2000;
	[dreg:$0xf] =	wrdreg s20;
	s10 =	simm.s32 $0x5000  }
0x14: {  	[dreg:$0x10] =	wrdreg s21;
	s22 =	simm.s32 $0x17800;
	s13 =	simm.s32 $0x5800  }
0x15: {  	s14 =	simm.s32 $0x6000;
	s15 =	simm.s32 $0x6800;
	s16 =	simm.s32 $0x7000  }
0x16: {  	s17 =	simm.s32 $0x8000;
	s18 =	simm.s32 $0x8800;
	s19 =	simm.s32 $0x9800  }
0x17: {  	s20 =	simm.s32 $0x11000;
	s21 =	simm.s32 $0x1;
	s0 =	sadd.s32 $0x400, s0  }
0x18: {  	s11 =	smax.u32 s8, $0x1;
	s8 =	simm.s32 $0x4000;
	[dreg:$0x11] =	wrdreg s22  }
0x19: {  	s22 =	simm.s32 $0x2;
	[dreg:$0x14] =	wrdreg s0;
	s0 =	sadd.s32 s23, s4  }
0x1a: {  	s4 =	sadd.s32 s24, s4;
	[dreg:$0x17] =	wrdreg s11;
	s23 =	simm.s32 $0x18000  }
0x1b: {  	s11 =	simm.s32 $0x4;
	s24 =	simm.s32 $0x18800;
	[dreg:$0x12] =	wrdreg s23  }
0x1c: {  	s0 =	sadd.s32 s1, s0;
	s25 =	sadd.s32 $0x3C0000, s4;
	[dreg:$0x13] =	wrdreg s24  }
0x1d: {  	s9 =	sadd.s32 $0x3E0000, s4;
	s1 =	simm.s32 $0x2800;
	[dreg:$0x15] =	wrdreg s25  }
0x1e: {  	v2 =	vlaneseq.u32;
	s4 =	simm.s32 $0x3800;
	s23 =	simm.s32 $0x3;
	[dreg:$0x4] =	wrdreg s0  }
0x1f: {  	vm0 =	vmmov $0xffff;
	v1 =	vshrl.u32 v2, $0x3;
	s24 =	simm.s32 $0x0;
	[dreg:$0x16] =	wrdreg s9;
	s25 =	simm.s32 $0x1800  }
0x20: {  	v0 =	vand.u32 $0x7, v2;
	v2 =	vor.u32 $0x8, v2;
	v1 =	vmul.u32 $0x8, v1;
	s9 =	simm.s32 $0x4800;
	s0 =	simm.s32 $0x7800;
	[dreg:$0x18] =	wrdreg s24  }
.LBB2_1:
0x21: {  	s24 =	rddreg [dreg:$0x14]  }
0x22: {  	[tilespmem:s3], [sflag:$0x4] =	stream.linear.gather [hbm4b:s24+s3], $0x1000, $0x38;
	[tilespmem:$0x19000] =	vst v63  }
0x23: {  	_ =	swait.ge [sflag:s11], $0x1000  }
0x24: {  	[sflag:s11] =	ssyncset.done $0x0  }
0x25: {  	[sflag:s11] =	ssyncadd.s32 $0xFFFFF000  }
0x26: {  	v3 =	vld [tilespmem:$0x0];
	_ =	sdelay $0x4  }
0x27: {  	v4 =	vshll.u32 v3, $0x3  }
0x28: {  	v3 =	vand.u32 $0x7, v3;
	v4 =	vand.u32 $0xFFFFFFC0, v4  }
0x29: {  	v3 =	vor.u32 v3, v4  }
0x2a: {  	v4 =	vperm.xlane v3, v0;
	_ =	sdelay $0x1  }
0x2b: {  	v4 =	vadd.s32 v1, v4;
	_ =	sdelay $0x4  }
0x2c: {  	[tilespmem:s12], [sflag:$0x1] =	stream.indirect_vreg.gather [hbm4b:s2+s3], $0x80, v4, vm0, $0xb8;
	[tilespmem:$0x19000] =	vst v63  }
0x2d: {  	v3 =	vperm.xlane v3, v2  }
0x2e: {  	[tilespmem:s25], [sflag:$0x1] =	stream.indirect_vreg.gather [hbm4b:s5+s3], $0x80, v4, vm0, $0xb8;
	[tilespmem:$0x19000] =	vst v63  }
0x2f: {  	v3 =	vadd.s32 v1, v3  }
0x30: {  	[tilespmem:s26], [sflag:$0x1] =	stream.indirect_vreg.gather [hbm4b:s6+s3], $0x80, v4, vm0, $0xb8;
	[tilespmem:$0x19000] =	vst v63  }
0x31: {  	_ = 	snop  }
0x32: {  	[tilespmem:s1], [sflag:$0x1] =	stream.indirect_vreg.gather [hbm4b:s7+s3], $0x80, v4, vm0, $0xb8;
	[tilespmem:$0x19000] =	vst v63  }
0x33: {  	_ = 	snop  }
0x34: {  	[tilespmem:s28], [sflag:$0x1] =	stream.indirect_vreg.gather [hbm4b:s2+s3], $0x80, v3, vm0, $0xb8;
	[tilespmem:$0x19000] =	vst v63  }
0x35: {  	_ = 	snop  }
0x36: {  	[tilespmem:s4], [sflag:$0x1] =	stream.indirect_vreg.gather [hbm4b:s5+s3], $0x80, v3, vm0, $0xb8;
	[tilespmem:$0x19000] =	vst v63  }
0x37: {  	_ = 	snop  }
0x38: {  	[tilespmem:s8], [sflag:$0x1] =	stream.indirect_vreg.gather [hbm4b:s6+s3], $0x80, v3, vm0, $0xb8;
	[tilespmem:$0x19000] =	vst v63  }
0x39: {  	_ = 	snop  }
0x3a: {  	[tilespmem:s9], [sflag:$0x1] =	stream.indirect_vreg.gather [hbm4b:s7+s3], $0x80, v3, vm0, $0xb8;
	[tilespmem:$0x19000] =	vst v63  }
0x3b: {  	v3 =	vld [tilespmem:$0x10];
	_ =	sdelay $0x4  }
0x3c: {  	v61 =	vshll.u32 v3, $0x3  }
0x3d: {  	v3 =	vand.u32 $0x7, v3;
	v4 =	vand.u32 $0xFFFFFFC0, v61  }
0x3e: {  	v3 =	vor.u32 v3, v4  }
0x3f: {  	v4 =	vperm.xlane v3, v0;
	_ =	sdelay $0x1  }
0x40: {  	v4 =	vadd.s32 v1, v4;
	_ =	sdelay $0x4  }
0x41: {  	[tilespmem:s10], [sflag:$0x1] =	stream.indirect_vreg.gather [hbm4b:s2+s3], $0x80, v4, vm0, $0xb8;
	[tilespmem:$0x19000] =	vst v63  }
0x42: {  	v3 =	vperm.xlane v3, v2  }
0x43: {  	[tilespmem:s13], [sflag:$0x1] =	stream.indirect_vreg.gather [hbm4b:s5+s3], $0x80, v4, vm0, $0xb8;
	[tilespmem:$0x19000] =	vst v63  }
0x44: {  	v3 =	vadd.s32 v1, v3  }
0x45: {  	[tilespmem:s14], [sflag:$0x1] =	stream.indirect_vreg.gather [hbm4b:s6+s3], $0x80, v4, vm0, $0xb8;
	[tilespmem:$0x19000] =	vst v63  }
0x46: {  	_ = 	snop  }
0x47: {  	[tilespmem:s15], [sflag:$0x1] =	stream.indirect_vreg.gather [hbm4b:s7+s3], $0x80, v4, vm0, $0xb8;
	[tilespmem:$0x19000] =	vst v63  }
0x48: {  	_ = 	snop  }
0x49: {  	[tilespmem:s16], [sflag:$0x1] =	stream.indirect_vreg.gather [hbm4b:s2+s3], $0x80, v3, vm0, $0xb8;
	[tilespmem:$0x19000] =	vst v63  }
0x4a: {  	_ = 	snop  }
0x4b: {  	[tilespmem:s0], [sflag:$0x1] =	stream.indirect_vreg.gather [hbm4b:s5+s3], $0x80, v3, vm0, $0xb8;
	[tilespmem:$0x19000] =	vst v63  }
0x4c: {  	_ = 	snop  }
0x4d: {  	[tilespmem:s17], [sflag:$0x1] =	stream.indirect_vreg.gather [hbm4b:s6+s3], $0x80, v3, vm0, $0xb8;
	[tilespmem:$0x19000] =	vst v63  }
0x4e: {  	_ = 	snop  }
0x4f: {  	[tilespmem:s18], [sflag:$0x1] =	stream.indirect_vreg.gather [hbm4b:s7+s3], $0x80, v3, vm0, $0xb8;
	[tilespmem:$0x19000] =	vst v63  }
0x50: {  	v3 =	vld [tilespmem:$0x80];
	_ =	sdelay $0x4  }
0x51: {  	v62 =	vshll.u32 v3, $0x3  }
0x52: {  	v3 =	vand.u32 $0x7, v3;
	v4 =	vand.u32 $0xFFFFFFC0, v62  }
0x53: {  	v3 =	vor.u32 v3, v4  }
0x54: {  	v4 =	vperm.xlane v3, v0;
	_ =	sdelay $0x1  }
0x55: {  	v4 =	vadd.s32 v1, v4;
	_ =	sdelay $0x4  }
0x56: {  	[tilespmem:s29], [sflag:$0x2] =	stream.indirect_vreg.gather [hbm4b:s2+s3], $0x80, v4, vm0, $0xb8;
	[tilespmem:$0x19000] =	vst v63  }
0x57: {  	v3 =	vperm.xlane v3, v2  }
0x58: {  	[tilespmem:s19], [sflag:$0x2] =	stream.indirect_vreg.gather [hbm4b:s5+s3], $0x80, v4, vm0, $0xb8;
	[tilespmem:$0x19000] =	vst v63  }
0x59: {  	v3 =	vadd.s32 v1, v3  }
0x5a: {  	[tilespmem:s30], [sflag:$0x2] =	stream.indirect_vreg.gather [hbm4b:s6+s3], $0x80, v4, vm0, $0xb8;
	[tilespmem:$0x19000] =	vst v63  }
0x5b: {  	_ = 	snop  }
0x5c: {  	[tilespmem:s31], [sflag:$0x2] =	stream.indirect_vreg.gather [hbm4b:s7+s3], $0x80, v4, vm0, $0xb8;
	[tilespmem:$0x19000] =	vst v63  }
0x5d: {  	s15 =	simm.s32 $0xB000  }
0x5e: {  	[tilespmem:s15], [sflag:$0x2] =	stream.indirect_vreg.gather [hbm4b:s2+s3], $0x80, v3, vm0, $0xb8;
	[tilespmem:$0x19000] =	vst v63  }
0x5f: {  	s16 =	simm.s32 $0xB800  }
0x60: {  	[tilespmem:s16], [sflag:$0x2] =	stream.indirect_vreg.gather [hbm4b:s5+s3], $0x80, v3, vm0, $0xb8;
	[tilespmem:$0x19000] =	vst v63  }
0x61: {  	s17 =	simm.s32 $0xC000  }
0x62: {  	[tilespmem:s17], [sflag:$0x2] =	stream.indirect_vreg.gather [hbm4b:s6+s3], $0x80, v3, vm0, $0xb8;
	[tilespmem:$0x19000] =	vst v63  }
0x63: {  	s18 =	simm.s32 $0xC800  }
0x64: {  	[tilespmem:s18], [sflag:$0x2] =	stream.indirect_vreg.gather [hbm4b:s7+s3], $0x80, v3, vm0, $0xb8;
	[tilespmem:$0x19000] =	vst v63  }
0x65: {  	v3 =	vld [tilespmem:$0x90];
	_ =	sdelay $0x4  }
0x66: {  	v63 =	vshll.u32 v3, $0x3  }
0x67: {  	v3 =	vand.u32 $0x7, v3;
	v4 =	vand.u32 $0xFFFFFFC0, v63  }
0x68: {  	v3 =	vor.u32 v3, v4  }
0x69: {  	v4 =	vperm.xlane v3, v0;
	_ =	sdelay $0x1  }
0x6a: {  	v4 =	vadd.s32 v1, v4;
	_ =	sdelay $0x3  }
0x6b: {  	s19 =	simm.s32 $0xD000  }
0x6c: {  	[tilespmem:s19], [sflag:$0x2] =	stream.indirect_vreg.gather [hbm4b:s2+s3], $0x80, v4, vm0, $0xb8;
	[tilespmem:$0x19000] =	vst v63  }
0x6d: {  	s24 =	simm.s32 $0xD800;
	s25 =	simm.s32 $0xE000;
	s26 =	simm.s32 $0xE800;
	v3 =	vperm.xlane v3, v2  }
0x6e: {  	[tilespmem:s24], [sflag:$0x2] =	stream.indirect_vreg.gather [hbm4b:s5+s3], $0x80, v4, vm0, $0xb8;
	[tilespmem:$0x19000] =	vst v63  }
0x6f: {  	s1 =	simm.s32 $0x2800;
	s28 =	simm.s32 $0xF000;
	s4 =	simm.s32 $0x9800;
	v3 =	vadd.s32 v1, v3  }
0x70: {  	[tilespmem:s25], [sflag:$0x2] =	stream.indirect_vreg.gather [hbm4b:s6+s3], $0x80, v4, vm0, $0xb8;
	[tilespmem:$0x19000] =	vst v63  }
0x71: {  	s8 =	simm.s32 $0xA800;
	s9 =	simm.s32 $0xF800;
	s10 =	simm.s32 $0x10000  }
0x72: {  	[tilespmem:s26], [sflag:$0x2] =	stream.indirect_vreg.gather [hbm4b:s7+s3], $0x80, v4, vm0, $0xb8;
	[tilespmem:$0x19000] =	vst v63  }
0x73: {  	s13 =	simm.s32 $0x5800;
	s14 =	simm.s32 $0x6000;
	s0 =	simm.s32 $0x3000  }
0x74: {  	[tilespmem:s28], [sflag:$0x2] =	stream.indirect_vreg.gather [hbm4b:s2+s3], $0x80, v3, vm0, $0xb8;
	[tilespmem:$0x19000] =	vst v63  }
0x75: {  	s30 =	simm.s32 $0xA000;
	s31 =	simm.s32 $0x10800;
	s15 =	simm.s32 $0x6800  }
0x76: {  	[tilespmem:s9], [sflag:$0x2] =	stream.indirect_vreg.gather [hbm4b:s5+s3], $0x80, v3, vm0, $0xb8;
	[tilespmem:$0x19000] =	vst v63  }
0x77: {  	s16 =	simm.s32 $0x7000;
	s17 =	simm.s32 $0x7800;
	s18 =	simm.s32 $0x8000  }
0x78: {  	[tilespmem:s10], [sflag:$0x2] =	stream.indirect_vreg.gather [hbm4b:s6+s3], $0x80, v3, vm0, $0xb8;
	[tilespmem:$0x19000] =	vst v63  }
0x79: {  	s19 =	simm.s32 $0x8800;
	s24 =	simm.s32 $0x210;
	s25 =	simm.s32 $0x0  }
0x7a: {  	[tilespmem:s31], [sflag:$0x2] =	stream.indirect_vreg.gather [hbm4b:s7+s3], $0x80, v3, vm0, $0xb8;
	[tilespmem:$0x19000] =	vst v63  }
.LBB2_2:
0x7b: {  	v3 =	vld [tilespmem:s24+$0xFFFFFEF0];
	_ =	sdelay $0x4  }
0x7c: {  	v4 =	vshll.u32 v3, $0x3  }
0x7d: {  	v3 =	vand.u32 $0x7, v3;
	v4 =	vand.u32 $0xFFFFFFC0, v4  }
0x7e: {  	v3 =	vor.u32 v3, v4  }
0x7f: {  	v4 =	vperm.xlane v3, v0;
	_ =	sdelay $0x1  }
0x80: {  	v4 =	vadd.s32 v1, v4;
	_ =	sdelay $0x4  }
0x81: {  	[tilespmem:s20], [sflag:$0x3] =	stream.indirect_vreg.gather [hbm4b:s2+s3], $0x80, v4, vm0, $0xb8;
	[tilespmem:$0x19000] =	vst v63  }
0x82: {  	s26 =	rddreg [dreg:$0x5];
	v3 =	vperm.xlane v3, v2  }
0x83: {  	[tilespmem:s26], [sflag:$0x3] =	stream.indirect_vreg.gather [hbm4b:s5+s3], $0x80, v4, vm0, $0xb8;
	[tilespmem:$0x19000] =	vst v63  }
0x84: {  	s28 =	rddreg [dreg:$0x6];
	v3 =	vadd.s32 v1, v3  }
0x85: {  	[tilespmem:s28], [sflag:$0x3] =	stream.indirect_vreg.gather [hbm4b:s6+s3], $0x80, v4, vm0, $0xb8;
	[tilespmem:$0x19000] =	vst v63  }
0x86: {  	s26 =	rddreg [dreg:$0x7]  }
0x87: {  	[tilespmem:s26], [sflag:$0x3] =	stream.indirect_vreg.gather [hbm4b:s7+s3], $0x80, v4, vm0, $0xb8;
	[tilespmem:$0x19000] =	vst v63  }
0x88: {  	s28 =	rddreg [dreg:$0x8]  }
0x89: {  	[tilespmem:s28], [sflag:$0x3] =	stream.indirect_vreg.gather [hbm4b:s2+s3], $0x80, v3, vm0, $0xb8;
	[tilespmem:$0x19000] =	vst v63  }
0x8a: {  	s26 =	rddreg [dreg:$0x9]  }
0x8b: {  	[tilespmem:s26], [sflag:$0x3] =	stream.indirect_vreg.gather [hbm4b:s5+s3], $0x80, v3, vm0, $0xb8;
	[tilespmem:$0x19000] =	vst v63  }
0x8c: {  	s28 =	rddreg [dreg:$0xa]  }
0x8d: {  	[tilespmem:s28], [sflag:$0x3] =	stream.indirect_vreg.gather [hbm4b:s6+s3], $0x80, v3, vm0, $0xb8;
	[tilespmem:$0x19000] =	vst v63  }
0x8e: {  	s26 =	rddreg [dreg:$0xb]  }
0x8f: {  	[tilespmem:s26], [sflag:$0x3] =	stream.indirect_vreg.gather [hbm4b:s7+s3], $0x80, v3, vm0, $0xb8;
	[tilespmem:$0x19000] =	vst v63  }
0x90: {  	v3 =	vld [tilespmem:s24+$0xFFFFFF00];
	_ =	sdelay $0x4  }
0x91: {  	v59 =	vshll.u32 v3, $0x3  }
0x92: {  	v3 =	vand.u32 $0x7, v3;
	v4 =	vand.u32 $0xFFFFFFC0, v59  }
0x93: {  	v3 =	vor.u32 v3, v4  }
0x94: {  	v4 =	vperm.xlane v3, v0;
	_ =	sdelay $0x1  }
0x95: {  	v4 =	vadd.s32 v1, v4;
	_ =	sdelay $0x3  }
0x96: {  	s26 =	rddreg [dreg:$0xc]  }
0x97: {  	[tilespmem:s26], [sflag:$0x3] =	stream.indirect_vreg.gather [hbm4b:s2+s3], $0x80, v4, vm0, $0xb8;
	[tilespmem:$0x19000] =	vst v63  }
0x98: {  	s28 =	rddreg [dreg:$0xd];
	v3 =	vperm.xlane v3, v2  }
0x99: {  	[tilespmem:s28], [sflag:$0x3] =	stream.indirect_vreg.gather [hbm4b:s5+s3], $0x80, v4, vm0, $0xb8;
	[tilespmem:$0x19000] =	vst v63  }
0x9a: {  	v3 =	vadd.s32 v1, v3;
	s26 =	rddreg [dreg:$0xe]  }
0x9b: {  	[tilespmem:s26], [sflag:$0x3] =	stream.indirect_vreg.gather [hbm4b:s6+s3], $0x80, v4, vm0, $0xb8;
	[tilespmem:$0x19000] =	vst v63  }
0x9c: {  	s28 =	rddreg [dreg:$0xf]  }
0x9d: {  	[tilespmem:s28], [sflag:$0x3] =	stream.indirect_vreg.gather [hbm4b:s7+s3], $0x80, v4, vm0, $0xb8;
	[tilespmem:$0x19000] =	vst v63  }
0x9e: {  	s26 =	rddreg [dreg:$0x10]  }
0x9f: {  	[tilespmem:s26], [sflag:$0x3] =	stream.indirect_vreg.gather [hbm4b:s2+s3], $0x80, v3, vm0, $0xb8;
	[tilespmem:$0x19000] =	vst v63  }
0xa0: {  	s28 =	rddreg [dreg:$0x11]  }
0xa1: {  	[tilespmem:s28], [sflag:$0x3] =	stream.indirect_vreg.gather [hbm4b:s5+s3], $0x80, v3, vm0, $0xb8;
	[tilespmem:$0x19000] =	vst v63  }
0xa2: {  	s26 =	rddreg [dreg:$0x12]  }
0xa3: {  	[tilespmem:s26], [sflag:$0x3] =	stream.indirect_vreg.gather [hbm4b:s6+s3], $0x80, v3, vm0, $0xb8;
	[tilespmem:$0x19000] =	vst v63  }
0xa4: {  	s28 =	rddreg [dreg:$0x13]  }
0xa5: {  	[tilespmem:s28], [sflag:$0x3] =	stream.indirect_vreg.gather [hbm4b:s7+s3], $0x80, v3, vm0, $0xb8;
	[tilespmem:$0x19000] =	vst v63  }
0xa6: {  	_ =	swait.ge [sflag:s21], $0x8000  }
0xa7: {  	s28 =	rddreg [dreg:$0x4];
	[sflag:s21] =	ssyncset.done $0x0  }
0xa8: {  	[sflag:s21] =	ssyncadd.s32 $0xFFFF8000;
	s26 =	sadd.s32 s25, s28  }
0xa9: {  	[hbm4b:s26+s3] =	stream.linear.scatter [tilespmem:s12], [sflag:$0x4], $0x8000, $0x38;
	[tilespmem:$0x19000] =	vst v63  }
0xaa: {  	_ =	swait.ge [sflag:s11], $0x8000  }
0xab: {  	[sflag:s11] =	ssyncset.done $0x0  }
0xac: {  	[sflag:s11] =	ssyncadd.s32 $0xFFFF8000  }
0xad: {  	v3 =	vld [tilespmem:s24+$0xFFFFFF70];
	_ =	sdelay $0x4  }
0xae: {  	v60 =	vshll.u32 v3, $0x3  }
0xaf: {  	v3 =	vand.u32 $0x7, v3;
	v4 =	vand.u32 $0xFFFFFFC0, v60  }
0xb0: {  	v3 =	vor.u32 v3, v4  }
0xb1: {  	v4 =	vperm.xlane v3, v0;
	_ =	sdelay $0x1  }
0xb2: {  	v4 =	vadd.s32 v1, v4;
	_ =	sdelay $0x4  }
0xb3: {  	[tilespmem:s12], [sflag:$0x1] =	stream.indirect_vreg.gather [hbm4b:s2+s3], $0x80, v4, vm0, $0xb8;
	[tilespmem:$0x19000] =	vst v63  }
0xb4: {  	s28 =	simm.s32 $0x1800;
	v3 =	vperm.xlane v3, v2  }
0xb5: {  	[tilespmem:s28], [sflag:$0x1] =	stream.indirect_vreg.gather [hbm4b:s5+s3], $0x80, v4, vm0, $0xb8;
	[tilespmem:$0x19000] =	vst v63  }
0xb6: {  	v3 =	vadd.s32 v1, v3;
	s28 =	simm.s32 $0x2000  }
0xb7: {  	[tilespmem:s28], [sflag:$0x1] =	stream.indirect_vreg.gather [hbm4b:s6+s3], $0x80, v4, vm0, $0xb8;
	[tilespmem:$0x19000] =	vst v63  }
0xb8: {  	_ = 	snop  }
0xb9: {  	[tilespmem:s1], [sflag:$0x1] =	stream.indirect_vreg.gather [hbm4b:s7+s3], $0x80, v4, vm0, $0xb8;
	[tilespmem:$0x19000] =	vst v63  }
0xba: {  	_ = 	snop  }
0xbb: {  	[tilespmem:s0], [sflag:$0x1] =	stream.indirect_vreg.gather [hbm4b:s2+s3], $0x80, v3, vm0, $0xb8;
	[tilespmem:$0x19000] =	vst v63  }
0xbc: {  	s28 =	simm.s32 $0x3800  }
0xbd: {  	[tilespmem:s28], [sflag:$0x1] =	stream.indirect_vreg.gather [hbm4b:s5+s3], $0x80, v3, vm0, $0xb8;
	[tilespmem:$0x19000] =	vst v63  }
0xbe: {  	s28 =	simm.s32 $0x4000  }
0xbf: {  	[tilespmem:s28], [sflag:$0x1] =	stream.indirect_vreg.gather [hbm4b:s6+s3], $0x80, v3, vm0, $0xb8;
	[tilespmem:$0x19000] =	vst v63  }
0xc0: {  	s28 =	simm.s32 $0x4800  }
0xc1: {  	[tilespmem:s28], [sflag:$0x1] =	stream.indirect_vreg.gather [hbm4b:s7+s3], $0x80, v3, vm0, $0xb8;
	[tilespmem:$0x19000] =	vst v63  }
0xc2: {  	v3 =	vld [tilespmem:s24+$0xFFFFFF80];
	_ =	sdelay $0x4  }
0xc3: {  	v61 =	vshll.u32 v3, $0x3  }
0xc4: {  	v3 =	vand.u32 $0x7, v3;
	v4 =	vand.u32 $0xFFFFFFC0, v61  }
0xc5: {  	v3 =	vor.u32 v3, v4  }
0xc6: {  	v4 =	vperm.xlane v3, v0;
	_ =	sdelay $0x1  }
0xc7: {  	v4 =	vadd.s32 v1, v4;
	_ =	sdelay $0x3  }
0xc8: {  	s28 =	simm.s32 $0x5000  }
0xc9: {  	[tilespmem:s28], [sflag:$0x1] =	stream.indirect_vreg.gather [hbm4b:s2+s3], $0x80, v4, vm0, $0xb8;
	[tilespmem:$0x19000] =	vst v63  }
0xca: {  	v3 =	vperm.xlane v3, v2  }
0xcb: {  	[tilespmem:s13], [sflag:$0x1] =	stream.indirect_vreg.gather [hbm4b:s5+s3], $0x80, v4, vm0, $0xb8;
	[tilespmem:$0x19000] =	vst v63  }
0xcc: {  	v3 =	vadd.s32 v1, v3  }
0xcd: {  	[tilespmem:s14], [sflag:$0x1] =	stream.indirect_vreg.gather [hbm4b:s6+s3], $0x80, v4, vm0, $0xb8;
	[tilespmem:$0x19000] =	vst v63  }
0xce: {  	_ = 	snop  }
0xcf: {  	[tilespmem:s15], [sflag:$0x1] =	stream.indirect_vreg.gather [hbm4b:s7+s3], $0x80, v4, vm0, $0xb8;
	[tilespmem:$0x19000] =	vst v63  }
0xd0: {  	_ = 	snop  }
0xd1: {  	[tilespmem:s16], [sflag:$0x1] =	stream.indirect_vreg.gather [hbm4b:s2+s3], $0x80, v3, vm0, $0xb8;
	[tilespmem:$0x19000] =	vst v63  }
0xd2: {  	_ = 	snop  }
0xd3: {  	[tilespmem:s17], [sflag:$0x1] =	stream.indirect_vreg.gather [hbm4b:s5+s3], $0x80, v3, vm0, $0xb8;
	[tilespmem:$0x19000] =	vst v63  }
0xd4: {  	_ = 	snop  }
0xd5: {  	[tilespmem:s18], [sflag:$0x1] =	stream.indirect_vreg.gather [hbm4b:s6+s3], $0x80, v3, vm0, $0xb8;
	[tilespmem:$0x19000] =	vst v63  }
0xd6: {  	_ = 	snop  }
0xd7: {  	[tilespmem:s19], [sflag:$0x1] =	stream.indirect_vreg.gather [hbm4b:s7+s3], $0x80, v3, vm0, $0xb8;
	[tilespmem:$0x19000] =	vst v63  }
0xd8: {  	_ =	swait.ge [sflag:s22], $0x8000  }
0xd9: {  	[sflag:s22] =	ssyncset.done $0x0  }
0xda: {  	s28 =	sadd.s32 $0x20000, s26;
	[sflag:s22] =	ssyncadd.s32 $0xFFFF8000  }
0xdb: {  	[hbm4b:s28+s3] =	stream.linear.scatter [tilespmem:s29], [sflag:$0x4], $0x8000, $0x38;
	[tilespmem:$0x19000] =	vst v63  }
0xdc: {  	_ =	swait.ge [sflag:s11], $0x8000  }
0xdd: {  	[sflag:s11] =	ssyncset.done $0x0  }
0xde: {  	[sflag:s11] =	ssyncadd.s32 $0xFFFF8000  }
0xdf: {  	v3 =	vld [tilespmem:s24+$0xFFFFFFF0];
	_ =	sdelay $0x4  }
0xe0: {  	v62 =	vshll.u32 v3, $0x3  }
0xe1: {  	v3 =	vand.u32 $0x7, v3;
	v4 =	vand.u32 $0xFFFFFFC0, v62  }
0xe2: {  	v3 =	vor.u32 v3, v4  }
0xe3: {  	v4 =	vperm.xlane v3, v0;
	_ =	sdelay $0x1  }
0xe4: {  	v4 =	vadd.s32 v1, v4;
	_ =	sdelay $0x4  }
0xe5: {  	[tilespmem:s29], [sflag:$0x2] =	stream.indirect_vreg.gather [hbm4b:s2+s3], $0x80, v4, vm0, $0xb8;
	[tilespmem:$0x19000] =	vst v63  }
0xe6: {  	v3 =	vperm.xlane v3, v2  }
0xe7: {  	[tilespmem:s4], [sflag:$0x2] =	stream.indirect_vreg.gather [hbm4b:s5+s3], $0x80, v4, vm0, $0xb8;
	[tilespmem:$0x19000] =	vst v63  }
0xe8: {  	v3 =	vadd.s32 v1, v3  }
0xe9: {  	[tilespmem:s30], [sflag:$0x2] =	stream.indirect_vreg.gather [hbm4b:s6+s3], $0x80, v4, vm0, $0xb8;
	[tilespmem:$0x19000] =	vst v63  }
0xea: {  	_ = 	snop  }
0xeb: {  	[tilespmem:s8], [sflag:$0x2] =	stream.indirect_vreg.gather [hbm4b:s7+s3], $0x80, v4, vm0, $0xb8;
	[tilespmem:$0x19000] =	vst v63  }
0xec: {  	s28 =	simm.s32 $0xB000  }
0xed: {  	[tilespmem:s28], [sflag:$0x2] =	stream.indirect_vreg.gather [hbm4b:s2+s3], $0x80, v3, vm0, $0xb8;
	[tilespmem:$0x19000] =	vst v63  }
0xee: {  	s28 =	simm.s32 $0xB800  }
0xef: {  	[tilespmem:s28], [sflag:$0x2] =	stream.indirect_vreg.gather [hbm4b:s5+s3], $0x80, v3, vm0, $0xb8;
	[tilespmem:$0x19000] =	vst v63  }
0xf0: {  	s28 =	simm.s32 $0xC000  }
0xf1: {  	[tilespmem:s28], [sflag:$0x2] =	stream.indirect_vreg.gather [hbm4b:s6+s3], $0x80, v3, vm0, $0xb8;
	[tilespmem:$0x19000] =	vst v63  }
0xf2: {  	s28 =	simm.s32 $0xC800  }
0xf3: {  	[tilespmem:s28], [sflag:$0x2] =	stream.indirect_vreg.gather [hbm4b:s7+s3], $0x80, v3, vm0, $0xb8;
	[tilespmem:$0x19000] =	vst v63  }
0xf4: {  	v3 =	vld [tilespmem:s24+$0x0];
	_ =	sdelay $0x4  }
0xf5: {  	v63 =	vshll.u32 v3, $0x3  }
0xf6: {  	v3 =	vand.u32 $0x7, v3;
	v4 =	vand.u32 $0xFFFFFFC0, v63  }
0xf7: {  	v3 =	vor.u32 v3, v4  }
0xf8: {  	v4 =	vperm.xlane v3, v0;
	_ =	sdelay $0x1  }
0xf9: {  	v4 =	vadd.s32 v1, v4;
	_ =	sdelay $0x3  }
0xfa: {  	s28 =	simm.s32 $0xD000  }
0xfb: {  	[tilespmem:s28], [sflag:$0x2] =	stream.indirect_vreg.gather [hbm4b:s2+s3], $0x80, v4, vm0, $0xb8;
	[tilespmem:$0x19000] =	vst v63  }
0xfc: {  	v3 =	vperm.xlane v3, v2;
	s28 =	simm.s32 $0xD800  }
0xfd: {  	[tilespmem:s28], [sflag:$0x2] =	stream.indirect_vreg.gather [hbm4b:s5+s3], $0x80, v4, vm0, $0xb8;
	[tilespmem:$0x19000] =	vst v63  }
0xfe: {  	v3 =	vadd.s32 v1, v3;
	s28 =	simm.s32 $0xE000  }
0xff: {  	[tilespmem:s28], [sflag:$0x2] =	stream.indirect_vreg.gather [hbm4b:s6+s3], $0x80, v4, vm0, $0xb8;
	[tilespmem:$0x19000] =	vst v63  }
0x100: {  	s28 =	simm.s32 $0xE800  }
0x101: {  	[tilespmem:s28], [sflag:$0x2] =	stream.indirect_vreg.gather [hbm4b:s7+s3], $0x80, v4, vm0, $0xb8;
	[tilespmem:$0x19000] =	vst v63  }
0x102: {  	s28 =	simm.s32 $0xF000  }
0x103: {  	[tilespmem:s28], [sflag:$0x2] =	stream.indirect_vreg.gather [hbm4b:s2+s3], $0x80, v3, vm0, $0xb8;
	[tilespmem:$0x19000] =	vst v63  }
0x104: {  	_ = 	snop  }
0x105: {  	[tilespmem:s9], [sflag:$0x2] =	stream.indirect_vreg.gather [hbm4b:s5+s3], $0x80, v3, vm0, $0xb8;
	[tilespmem:$0x19000] =	vst v63  }
0x106: {  	_ = 	snop  }
0x107: {  	[tilespmem:s10], [sflag:$0x2] =	stream.indirect_vreg.gather [hbm4b:s6+s3], $0x80, v3, vm0, $0xb8;
	[tilespmem:$0x19000] =	vst v63  }
0x108: {  	_ = 	snop  }
0x109: {  	[tilespmem:s31], [sflag:$0x2] =	stream.indirect_vreg.gather [hbm4b:s7+s3], $0x80, v3, vm0, $0xb8;
	[tilespmem:$0x19000] =	vst v63  }
0x10a: {  	_ =	swait.ge [sflag:s23], $0x8000  }
0x10b: {  	p0 =	sne.s32 s25, $0x360000;
	[sflag:s23] =	ssyncset.done $0x0  }
.Ltmp0:
0x10c: {  	s26 =	sadd.s32 $0x40000, s26;
	[sflag:s23] =	ssyncadd.s32 $0xFFFF8000;
	(pc) =	sbr.rel @p0 .LBB2_2-.Ltmp0, $4  }
0x10d: {  	[hbm4b:s26+s3] =	stream.linear.scatter [tilespmem:s20], [sflag:$0x4], $0x8000, $0x38;
	[tilespmem:$0x19000] =	vst v63  }
0x10e: {  	_ =	swait.ge [sflag:s11], $0x8000  }
0x10f: {  	[sflag:s11] =	ssyncset.done $0x0  }
0x110: {  	s25 =	sadd.s32 $0x60000, s25;
	s24 =	sadd.s32 $0x180, s24;
	[sflag:s11] =	ssyncadd.s32 $0xFFFF8000  }
0x111: {  	_ =	swait.ge [sflag:s21], $0x8000  }
0x112: {  	[sflag:s21] =	ssyncset.done $0x0  }
0x113: {  	s24 =	rddreg [dreg:$0x15];
	[sflag:s21] =	ssyncadd.s32 $0xFFFF8000  }
0x114: {  	[hbm4b:s24+s3] =	stream.linear.scatter [tilespmem:s12], [sflag:$0x4], $0x8000, $0x38;
	[tilespmem:$0x19000] =	vst v63  }
0x115: {  	_ =	swait.ge [sflag:s11], $0x8000  }
0x116: {  	[sflag:s11] =	ssyncset.done $0x0  }
0x117: {  	[sflag:s11] =	ssyncadd.s32 $0xFFFF8000  }
0x118: {  	_ =	swait.ge [sflag:s22], $0x8000  }
0x119: {  	[sflag:s22] =	ssyncset.done $0x0  }
0x11a: {  	s25 =	rddreg [dreg:$0x16];
	[sflag:s22] =	ssyncadd.s32 $0xFFFF8000  }
0x11b: {  	[hbm4b:s25+s3] =	stream.linear.scatter [tilespmem:s29], [sflag:$0x4], $0x8000, $0x38;
	[tilespmem:$0x19000] =	vst v63  }
0x11c: {  	s1 =	simm.s32 $0x2800;
	s28 =	simm.s32 $0x3000;
	_ =	swait.ge [sflag:s11], $0x8000  }
0x11d: {  	s4 =	simm.s32 $0x3800;
	s8 =	simm.s32 $0x4000;
	s0 =	rddreg [dreg:$0x18]  }
0x11e: {  	s9 =	simm.s32 $0x4800;
	s26 =	rddreg [dreg:$0x17];
	s0 =	sadd.s32 $0x1, s0  }
0x11f: {  	s10 =	simm.s32 $0x5000;
	s13 =	simm.s32 $0x5800;
	p0 =	sne.s32 s0, s26  }
.Ltmp1:
0x120: {  	s14 =	simm.s32 $0x6000;
	s15 =	simm.s32 $0x6800;
	(pc) =	sbr.rel @p0 .LBB2_1-.Ltmp1, $4  }
0x121: {  	s16 =	simm.s32 $0x7000;
	s17 =	simm.s32 $0x8000;
	s18 =	simm.s32 $0x8800  }
0x122: {  	s19 =	simm.s32 $0x9800;
	s30 =	simm.s32 $0xA000;
	[sflag:s11] =	ssyncset.done $0x0  }
0x123: {  	s31 =	simm.s32 $0xA800;
	s25 =	simm.s32 $0x1800;
	[sflag:s11] =	ssyncadd.s32 $0xFFFF8000  }
0x124: {  	[dreg:$0x18] =	wrdreg s0;
	s26 =	simm.s32 $0x2000;
	s0 =	simm.s32 $0x7800  }
0x125: {  	_ =	sfence.sel $0x180000  }
0x126: {  	[bflag:$0x0] =	sbarrier.arrive $0xFFFF  }
0x127: {  	_ =	strace $0x90000047  }
0x128: {  	s0 =	stileid.u32;
	[bflag:$0x2] =	sbarrier.arrive $0xFFFF  }
0x129: {  	p0 =	sne.s32 s0, $0x0;
	s0 =	rddreg [dreg:$0x3]  }
0x12a: {  	s0 =	sadd.s32 @!p0 $0x100000, s0  }
0x12b: {  	[sflag:s0] =	ssyncadd.tile.s32 @!p0 $0x1;
	_ =	shalt  }
.Lfunc_end2:
_tile_overlayer_lowered:
.L_overlay_start_2:
0x12c: {  	(tag) =	ssettag $0x2  }
0x12d: {  	s0 =	rddreg [dreg:$0x0];
	s2 =	stileid.u32  }
0x12e: {  	s1 =	rddreg [dreg:$0x1];
	p0 =	sne.s32 s2, $0x0  }
0x12f: {  	s3 =	rddreg [dreg:$0x2];
	[bflag:$0x3] =	sbarrier.arrive $0xFFFF;
	s2 =	simm.s32 @!p0 $0x1C04  }
0x130: {  	[timem:s3], [sflag:s2] =	dma.local @!p0 [hbm:s0], s1  }
0x131: {  	s0 =	simm.s32 @!p0 $0x4  }
0x132: {  	_ =	swait.ge @!p0 [sflag:s0], s1  }
0x133: {  	s1 =	ssub.s32 @!p0 $0x0, s1;
	[sflag:s0] =	ssyncset.done @!p0 $0x0  }
0x134: {  	[sflag:s0] =	ssyncadd.s32 @!p0 s1  }
0x135: {  	[bflag:$0x3] =	sbarrier.arrive $0xFFFF  }
0x136: {  	_ =	shalt  }

</sc_bundles>
